<compile_context>
chip_gen: v7x
topology: tpu7x:2x2x1
jax: 0.10.2.dev20260603
libtpu: 0.0.44.dev20260713+nightly
codegen_flags: <defaults>
</compile_context>

<pallas_src>
import functools

import jax
import jax.numpy as jnp
from jax import lax
from jax.experimental import pallas as pl
from jax.experimental.pallas import tpu as pltpu
from jax.experimental.pallas import tpu_sc as plsc

_NC, _NS, _L = 2, 16, 16
_NW = _NC * _NS
_B = 400


def _make_sc_decode(n_edges, n_rows, d):
    n_per_w = n_edges // _NW
    n_chunks = n_per_w // _B
    assert n_per_w % _B == 0 and _B % _L == 0
    n_groups = _B // _L
    mesh = plsc.VectorSubcoreMesh(core_axis_name="c", subcore_axis_name="s")

    @functools.partial(
        pl.kernel,
        out_type=jax.ShapeDtypeStruct((n_edges,), jnp.float32),
        mesh=mesh,
        scratch_types=[
            pltpu.VMEM((_B,), jnp.int32),
            pltpu.VMEM((_B,), jnp.int32),
            pltpu.VMEM((_B, d), jnp.float32),
            pltpu.VMEM((_B, d), jnp.float32),
            pltpu.VMEM((_B,), jnp.float32),
            pltpu.VMEM((_L * _L,), jnp.float32),
            pltpu.SemaphoreType.DMA,
            pltpu.SemaphoreType.DMA,
        ],
        compiler_params=pltpu.CompilerParams(needs_layout_passes=False),
    )
    def decode(src_hbm, dst_hbm, table_hbm, out_hbm,
               idx_s, idx_d, rows_s, rows_d, out_v, stage, sem_s, sem_d):
        wid = lax.axis_index("s") * _NC + lax.axis_index("c")
        wbase = wid * n_per_w
        lanes16 = lax.iota(jnp.int32, _L) * _L

        def chunk_body(c, carry):
            base = wbase + c * _B
            pltpu.sync_copy(src_hbm.at[pl.ds(base, _B)], idx_s)
            pltpu.sync_copy(dst_hbm.at[pl.ds(base, _B)], idx_d)
            cp_s = pltpu.async_copy(table_hbm.at[idx_s], rows_s, sem_s)
            cp_d = pltpu.async_copy(table_hbm.at[idx_d], rows_d, sem_d)
            cp_s.wait()
            cp_d.wait()

            def group_body(j, carry2):
                e0 = j * _L
                for e in range(_L):
                    eid = e0 + e
                    parts = [
                        rows_s[eid, pl.ds(k * _L, _L)]
                        * rows_d[eid, pl.ds(k * _L, _L)]
                        for k in range(d // _L)
                    ]
                    while len(parts) > 1:
                        parts = [
                            parts[i] + parts[i + 1]
                            for i in range(0, len(parts) - 1, 2)
                        ] + ([parts[-1]] if len(parts) % 2 else [])
                    plsc.store_scatter(stage, [lanes16 + e], parts[0])
                dots = stage[pl.ds(0, _L)]
                for l in range(1, _L):
                    dots = dots + stage[pl.ds(l * _L, _L)]
                out_v[pl.ds(e0, _L)] = 1.0 / (1.0 + jnp.exp(-dots))
                return carry2

            lax.fori_loop(0, n_groups, group_body, 0)
            pltpu.sync_copy(out_v, out_hbm.at[pl.ds(base, _B)])
            return carry

        lax.fori_loop(0, n_chunks, chunk_body, 0)

    return decode


def kernel(ps, ns, zs):
    t, n, d = zs.shape
    e = ps.shape[2]
    s = t - 1
    off = (jnp.arange(s, dtype=jnp.int32) * n)[:, None]
    p_src = (ps[1:, 0].astype(jnp.int32) + off).reshape(-1)
    p_dst = (ps[1:, 1].astype(jnp.int32) + off).reshape(-1)
    n_src = (ns[1:, 0].astype(jnp.int32) + off).reshape(-1)
    n_dst = (ns[1:, 1].astype(jnp.int32) + off).reshape(-1)
    src_all = jnp.concatenate([p_src, n_src])
    dst_all = jnp.concatenate([p_dst, n_dst])
    table = zs[:-1].reshape(s * n, d)
    out = _make_sc_decode(2 * s * e, s * n, d)(src_all, dst_all, table)
    return out[: s * e], out[s * e:]

# --- scband reference (transcript-rebuilt; emitter-appended) ---
"""Pipeline reference for scband-recurrent-9174050144917 (READ-ONLY COPY).

The authoritative reference and input builder live on the scoring server;
editing this copy changes nothing except your own understanding.
"""

import jax, jax.numpy as jnp
import numpy as np

T, N, D, E = 6, 10000, 128, 160000


def setup_inputs(seed: int = 0) -> dict:
    key = jax.random.key(seed)
    k1, k2, k3 = jax.random.split(key, 3)
    ps = jax.random.randint(k1, (T, 2, E), 0, N, dtype=jnp.int64) if jax.config.jax_enable_x64 else jax.random.randint(k1, (T, 2, E), 0, N)
    ns = jax.random.randint(k2, (T, 2, E), 0, N)
    zs = jax.random.normal(k3, (T, N, D), dtype=jnp.float32)
    return {"ps": ps, "ns": ns, "zs": zs}


def _decode(src, dst, z):
    # gather rows for src and dst, elementwise product, reduce over feature dim, sigmoid
    return jax.nn.sigmoid(jnp.sum(jnp.take(z, src, axis=0) * jnp.take(z, dst, axis=0), axis=1))


def reference(ps, ns, zs):
    # Faithful translation of Recurrent.score: predict edges at time t+1 from embeddings at time t
    ps_, ns_, zs_ = ps[1:], ns[1:], zs[:-1]
    p_scores = []
    n_scores = []
    for i in range(zs_.shape[0]):
        p_src, p_dst = ps_[i, 0], ps_[i, 1]
        p_scores.append(_decode(p_src, p_dst, zs_[i]))
        n_src, n_dst = ns_[i, 0], ns_[i, 1]
        n_scores.append(_decode(n_src, n_dst, zs_[i]))
    return (jnp.concatenate(p_scores, axis=0), jnp.concatenate(n_scores, axis=0))

if __name__ == "__main__":
    import jax
    _d = setup_inputs()
    print(jax.jit(kernel)(*tuple(_d.values())))

</pallas_src>

<mosaic_0001>
#map = affine_map<(d0, d1) -> (0)>
#map1 = affine_map<(d0, d1) -> (0, 0)>
module attributes {stable_mosaic.version = 14 : i64} {
  func.func @decode(%arg0: i32, %arg1: i32, %arg2: memref<1600000xi32, #tpu.memory_space<hbm>>, %arg3: memref<1600000xi32, #tpu.memory_space<hbm>>, %arg4: memref<50000x128xf32, #tpu.memory_space<hbm>>, %arg5: memref<1600000xf32, #tpu.memory_space<hbm>>, %arg6: memref<400xi32, #tpu.memory_space<vmem>>, %arg7: memref<400xi32, #tpu.memory_space<vmem>>, %arg8: memref<400x128xf32, #tpu.memory_space<vmem>>, %arg9: memref<400x128xf32, #tpu.memory_space<vmem>>, %arg10: memref<400xf32, #tpu.memory_space<vmem>>, %arg11: memref<256xf32, #tpu.memory_space<vmem>>, %arg12: memref<!tpu.dma_semaphore, #tpu.memory_space<semaphore_mem>>, %arg13: memref<!tpu.dma_semaphore, #tpu.memory_space<semaphore_mem>>) attributes {dimension_semantics = [#tpu.dimension_semantics<core_parallel>, #tpu.dimension_semantics<subcore_parallel>], iteration_bounds = array<i64: 2, 16>, scalar_prefetch = 0 : i64, scratch_operands = 8 : i64, tpu.core_type = #tpu.core_type<sc_vector_subcore>, window_params = [{transform_indices = #map}, {transform_indices = #map}, {transform_indices = #map1}, {transform_indices = #map}]} {
    %mul3A = arith.constant 2 : i32
    %mul3A_0 = arith.muli %arg1, %mul3A : i32
    %add3A = arith.addi %mul3A_0, %arg0 : i32
    %mul3A_1 = arith.constant 50000 : i32
    %mul3A_2 = arith.muli %add3A, %mul3A_1 : i32
    %iota3A = tpu.iota {dimensions = array<i32: 0>} : vector<16xi32>
    %mul3A_3 = arith.constant 16 : i32
    %mul3A_4 = vector.broadcast %mul3A_3 : i32 to vector<16xi32>
    %mul3A_5 = arith.muli %iota3A, %mul3A_4 : vector<16xi32>
    %scan3A = arith.constant 0 : i32
    %scan3A_6 = arith.constant 0 : i32
    %scan3A_7 = arith.constant 125 : i32
    %scan3A_8 = arith.addi %scan3A_6, %scan3A_7 : i32
    %scan3A_9 = arith.constant 1 : i32
    scf.for %scan3A_11 = %scan3A_6 to %scan3A_8 step %scan3A_9  : i32 {
      %mul3A_12 = arith.constant 400 : i32
      %mul3A_13 = arith.muli %scan3A_11, %mul3A_12 : i32
      %add3A_14 = arith.addi %mul3A_2, %mul3A_13 : i32
      "tpu.region"() ({
        %run_scoped3A = tpu.sem_alloc : memref<!tpu.dma_semaphore, #tpu.memory_space<semaphore_mem>>
        %dma_start3A_31 = tpu.memref_slice %arg2[%add3A_14] : memref<1600000xi32, #tpu.memory_space<hbm>> -> memref<400xi32, #tpu.memory_space<hbm>>
        %dma_start3A_32 = tpu.memref_slice %arg2[%add3A_14] : memref<1600000xi32, #tpu.memory_space<hbm>> -> memref<400xi32, #tpu.memory_space<hbm>>
        tpu.enqueue_dma source(%dma_start3A_32 : memref<400xi32, #tpu.memory_space<hbm>>) target(%arg6 : memref<400xi32, #tpu.memory_space<vmem>>) target_semaphore(%run_scoped3A : memref<!tpu.dma_semaphore, #tpu.memory_space<semaphore_mem>>)
        %dma_wait3A_33 = tpu.memref_slice %arg2[%add3A_14] : memref<1600000xi32, #tpu.memory_space<hbm>> -> memref<400xi32, #tpu.memory_space<hbm>>
        %dma_wait3A_34 = tpu.memref_slice %arg2[%add3A_14] : memref<1600000xi32, #tpu.memory_space<hbm>> -> memref<400xi32, #tpu.memory_space<hbm>>
        tpu.wait_dma2 semaphore(%run_scoped3A : memref<!tpu.dma_semaphore, #tpu.memory_space<semaphore_mem>>) src(%dma_wait3A_34 : memref<400xi32, #tpu.memory_space<hbm>>) dst(%arg6 : memref<400xi32, #tpu.memory_space<vmem>>)
        tpu.yield
      }) : () -> ()
      "tpu.region"() ({
        %run_scoped3A = tpu.sem_alloc : memref<!tpu.dma_semaphore, #tpu.memory_space<semaphore_mem>>
        %dma_start3A_31 = tpu.memref_slice %arg3[%add3A_14] : memref<1600000xi32, #tpu.memory_space<hbm>> -> memref<400xi32, #tpu.memory_space<hbm>>
        %dma_start3A_32 = tpu.memref_slice %arg3[%add3A_14] : memref<1600000xi32, #tpu.memory_space<hbm>> -> memref<400xi32, #tpu.memory_space<hbm>>
        tpu.enqueue_dma source(%dma_start3A_32 : memref<400xi32, #tpu.memory_space<hbm>>) target(%arg7 : memref<400xi32, #tpu.memory_space<vmem>>) target_semaphore(%run_scoped3A : memref<!tpu.dma_semaphore, #tpu.memory_space<semaphore_mem>>)
        %dma_wait3A_33 = tpu.memref_slice %arg3[%add3A_14] : memref<1600000xi32, #tpu.memory_space<hbm>> -> memref<400xi32, #tpu.memory_space<hbm>>
        %dma_wait3A_34 = tpu.memref_slice %arg3[%add3A_14] : memref<1600000xi32, #tpu.memory_space<hbm>> -> memref<400xi32, #tpu.memory_space<hbm>>
        tpu.wait_dma2 semaphore(%run_scoped3A : memref<!tpu.dma_semaphore, #tpu.memory_space<semaphore_mem>>) src(%dma_wait3A_34 : memref<400xi32, #tpu.memory_space<hbm>>) dst(%arg7 : memref<400xi32, #tpu.memory_space<vmem>>)
        tpu.yield
      }) : () -> ()
      %dma_start3A = arith.constant 0 : i32
      %dma_start3A_15 = arith.constant 0 : i32
      %dma_start3A_16 = tpu.memref_slice %arg4[%dma_start3A, %dma_start3A_15] : memref<50000x128xf32, #tpu.memory_space<hbm>> -> memref<50000x128xf32, #tpu.memory_space<hbm>>
      tpu.enqueue_indirect_dma source(%dma_start3A_16 : memref<50000x128xf32, #tpu.memory_space<hbm>>) target(%arg8 : memref<400x128xf32, #tpu.memory_space<vmem>>) offsets(%arg6 : memref<400xi32, #tpu.memory_space<vmem>>) semaphore(%arg12 : memref<!tpu.dma_semaphore, #tpu.memory_space<semaphore_mem>>)
      %dma_start3A_17 = arith.constant 0 : i32
      %dma_start3A_18 = arith.constant 0 : i32
      %dma_start3A_19 = tpu.memref_slice %arg4[%dma_start3A_17, %dma_start3A_18] : memref<50000x128xf32, #tpu.memory_space<hbm>> -> memref<50000x128xf32, #tpu.memory_space<hbm>>
      tpu.enqueue_indirect_dma source(%dma_start3A_19 : memref<50000x128xf32, #tpu.memory_space<hbm>>) target(%arg9 : memref<400x128xf32, #tpu.memory_space<vmem>>) offsets(%arg7 : memref<400xi32, #tpu.memory_space<vmem>>) semaphore(%arg13 : memref<!tpu.dma_semaphore, #tpu.memory_space<semaphore_mem>>)
      %dma_wait3A = arith.constant 0 : i32
      %dma_wait3A_20 = arith.constant 0 : i32
      %dma_wait3A_21 = tpu.memref_slice %arg4[%dma_wait3A, %dma_wait3A_20] : memref<50000x128xf32, #tpu.memory_space<hbm>> -> memref<50000x128xf32, #tpu.memory_space<hbm>>
      tpu.wait_indirect_dma semaphore(%arg12 : memref<!tpu.dma_semaphore, #tpu.memory_space<semaphore_mem>>) src(%dma_wait3A_21 : memref<50000x128xf32, #tpu.memory_space<hbm>>) dst(%arg8 : memref<400x128xf32, #tpu.memory_space<vmem>>)
      %dma_wait3A_22 = arith.constant 0 : i32
      %dma_wait3A_23 = arith.constant 0 : i32
      %dma_wait3A_24 = tpu.memref_slice %arg4[%dma_wait3A_22, %dma_wait3A_23] : memref<50000x128xf32, #tpu.memory_space<hbm>> -> memref<50000x128xf32, #tpu.memory_space<hbm>>
      tpu.wait_indirect_dma semaphore(%arg13 : memref<!tpu.dma_semaphore, #tpu.memory_space<semaphore_mem>>) src(%dma_wait3A_24 : memref<50000x128xf32, #tpu.memory_space<hbm>>) dst(%arg9 : memref<400x128xf32, #tpu.memory_space<vmem>>)
      %scan3A_25 = arith.constant 0 : i32
      %scan3A_26 = arith.constant 0 : i32
      %scan3A_27 = arith.constant 25 : i32
      %scan3A_28 = arith.addi %scan3A_26, %scan3A_27 : i32
      %scan3A_29 = arith.constant 1 : i32
      scf.for %scan3A_31 = %scan3A_26 to %scan3A_28 step %scan3A_29  : i32 {
        %mul3A_32 = arith.constant 16 : i32
        %mul3A_33 = arith.muli %scan3A_31, %mul3A_32 : i32
        %add3A_34 = arith.constant 0 : i32
        %add3A_35 = arith.addi %mul3A_33, %add3A_34 : i32
        %get3A = arith.index_cast %add3A_35 : i32 to index
        %get3A_36 = arith.constant 0 : index
        %get3A_37 = tpu.vector_load %arg8[%get3A, %get3A_36] {strides = array<i32>} : memref<400x128xf32, #tpu.memory_space<vmem>>, vector<16xf32>,
        %get3A_38 = arith.index_cast %add3A_35 : i32 to index
        %get3A_39 = arith.constant 0 : index
        %get3A_40 = tpu.vector_load %arg9[%get3A_38, %get3A_39] {strides = array<i32>} : memref<400x128xf32, #tpu.memory_space<vmem>>, vector<16xf32>,
        %mul3A_41 = arith.mulf %get3A_37, %get3A_40 : vector<16xf32>
        %get3A_42 = arith.index_cast %add3A_35 : i32 to index
        %get3A_43 = arith.constant 16 : index
        %get3A_44 = tpu.vector_load %arg8[%get3A_42, %get3A_43] {strides = array<i32>} : memref<400x128xf32, #tpu.memory_space<vmem>>, vector<16xf32>,
        %get3A_45 = arith.index_cast %add3A_35 : i32 to index
        %get3A_46 = arith.constant 16 : index
        %get3A_47 = tpu.vector_load %arg9[%get3A_45, %get3A_46] {strides = array<i32>} : memref<400x128xf32, #tpu.memory_space<vmem>>, vector<16xf32>,
        %mul3A_48 = arith.mulf %get3A_44, %get3A_47 : vector<16xf32>
        %get3A_49 = arith.index_cast %add3A_35 : i32 to index
        %get3A_50 = arith.constant 32 : index
        %get3A_51 = tpu.vector_load %arg8[%get3A_49, %get3A_50] {strides = array<i32>} : memref<400x128xf32, #tpu.memory_space<vmem>>, vector<16xf32>,
        %get3A_52 = arith.index_cast %add3A_35 : i32 to index
        %get3A_53 = arith.constant 32 : index
        %get3A_54 = tpu.vector_load %arg9[%get3A_52, %get3A_53] {strides = array<i32>} : memref<400x128xf32, #tpu.memory_space<vmem>>, vector<16xf32>,
        %mul3A_55 = arith.mulf %get3A_51, %get3A_54 : vector<16xf32>
        %get3A_56 = arith.index_cast %add3A_35 : i32 to index
        %get3A_57 = arith.constant 48 : index
        %get3A_58 = tpu.vector_load %arg8[%get3A_56, %get3A_57] {strides = array<i32>} : memref<400x128xf32, #tpu.memory_space<vmem>>, vector<16xf32>,
        %get3A_59 = arith.index_cast %add3A_35 : i32 to index
        %get3A_60 = arith.constant 48 : index
        %get3A_61 = tpu.vector_load %arg9[%get3A_59, %get3A_60] {strides = array<i32>} : memref<400x128xf32, #tpu.memory_space<vmem>>, vector<16xf32>,
        %mul3A_62 = arith.mulf %get3A_58, %get3A_61 : vector<16xf32>
        %get3A_63 = arith.index_cast %add3A_35 : i32 to index
        %get3A_64 = arith.constant 64 : index
        %get3A_65 = tpu.vector_load %arg8[%get3A_63, %get3A_64] {strides = array<i32>} : memref<400x128xf32, #tpu.memory_space<vmem>>, vector<16xf32>,
        %get3A_66 = arith.index_cast %add3A_35 : i32 to index
        %get3A_67 = arith.constant 64 : index
        %get3A_68 = tpu.vector_load %arg9[%get3A_66, %get3A_67] {strides = array<i32>} : memref<400x128xf32, #tpu.memory_space<vmem>>, vector<16xf32>,
        %mul3A_69 = arith.mulf %get3A_65, %get3A_68 : vector<16xf32>
        %get3A_70 = arith.index_cast %add3A_35 : i32 to index
        %get3A_71 = arith.constant 80 : index
        %get3A_72 = tpu.vector_load %arg8[%get3A_70, %get3A_71] {strides = array<i32>} : memref<400x128xf32, #tpu.memory_space<vmem>>, vector<16xf32>,
        %get3A_73 = arith.index_cast %add3A_35 : i32 to index
        %get3A_74 = arith.constant 80 : index
        %get3A_75 = tpu.vector_load %arg9[%get3A_73, %get3A_74] {strides = array<i32>} : memref<400x128xf32, #tpu.memory_space<vmem>>, vector<16xf32>,
        %mul3A_76 = arith.mulf %get3A_72, %get3A_75 : vector<16xf32>
        %get3A_77 = arith.index_cast %add3A_35 : i32 to index
        %get3A_78 = arith.constant 96 : index
        %get3A_79 = tpu.vector_load %arg8[%get3A_77, %get3A_78] {strides = array<i32>} : memref<400x128xf32, #tpu.memory_space<vmem>>, vector<16xf32>,
        %get3A_80 = arith.index_cast %add3A_35 : i32 to index
        %get3A_81 = arith.constant 96 : index
        %get3A_82 = tpu.vector_load %arg9[%get3A_80, %get3A_81] {strides = array<i32>} : memref<400x128xf32, #tpu.memory_space<vmem>>, vector<16xf32>,
        %mul3A_83 = arith.mulf %get3A_79, %get3A_82 : vector<16xf32>
        %get3A_84 = arith.index_cast %add3A_35 : i32 to index
        %get3A_85 = arith.constant 112 : index
        %get3A_86 = tpu.vector_load %arg8[%get3A_84, %get3A_85] {strides = array<i32>} : memref<400x128xf32, #tpu.memory_space<vmem>>, vector<16xf32>,
        %get3A_87 = arith.index_cast %add3A_35 : i32 to index
        %get3A_88 = arith.constant 112 : index
        %get3A_89 = tpu.vector_load %arg9[%get3A_87, %get3A_88] {strides = array<i32>} : memref<400x128xf32, #tpu.memory_space<vmem>>, vector<16xf32>,
        %mul3A_90 = arith.mulf %get3A_86, %get3A_89 : vector<16xf32>
        %add3A_91 = arith.addf %mul3A_41, %mul3A_48 : vector<16xf32>
        %add3A_92 = arith.addf %mul3A_55, %mul3A_62 : vector<16xf32>
        %add3A_93 = arith.addf %mul3A_69, %mul3A_76 : vector<16xf32>
        %add3A_94 = arith.addf %mul3A_83, %mul3A_90 : vector<16xf32>
        %add3A_95 = arith.addf %add3A_91, %add3A_92 : vector<16xf32>
        %add3A_96 = arith.addf %add3A_93, %add3A_94 : vector<16xf32>
        %add3A_97 = arith.addf %add3A_95, %add3A_96 : vector<16xf32>
        %add3A_98 = arith.constant 0 : i32
        %add3A_99 = vector.broadcast %add3A_98 : i32 to vector<16xi32>
        %add3A_100 = arith.addi %mul3A_5, %add3A_99 : vector<16xi32>
        tpu.vector_store_idx %arg11[%add3A_100], %add3A_97 : memref<256xf32, #tpu.memory_space<vmem>>[vector<16xi32>], vector<16xf32>,
        %add3A_101 = arith.constant 1 : i32
        %add3A_102 = arith.addi %mul3A_33, %add3A_101 : i32
        %get3A_103 = arith.index_cast %add3A_102 : i32 to index
        %get3A_104 = arith.constant 0 : index
        %get3A_105 = tpu.vector_load %arg8[%get3A_103, %get3A_104] {strides = array<i32>} : memref<400x128xf32, #tpu.memory_space<vmem>>, vector<16xf32>,
        %get3A_106 = arith.index_cast %add3A_102 : i32 to index
        %get3A_107 = arith.constant 0 : index
        %get3A_108 = tpu.vector_load %arg9[%get3A_106, %get3A_107] {strides = array<i32>} : memref<400x128xf32, #tpu.memory_space<vmem>>, vector<16xf32>,
        %mul3A_109 = arith.mulf %get3A_105, %get3A_108 : vector<16xf32>
        %get3A_110 = arith.index_cast %add3A_102 : i32 to index
        %get3A_111 = arith.constant 16 : index
        %get3A_112 = tpu.vector_load %arg8[%get3A_110, %get3A_111] {strides = array<i32>} : memref<400x128xf32, #tpu.memory_space<vmem>>, vector<16xf32>,
        %get3A_113 = arith.index_cast %add3A_102 : i32 to index
        %get3A_114 = arith.constant 16 : index
        %get3A_115 = tpu.vector_load %arg9[%get3A_113, %get3A_114] {strides = array<i32>} : memref<400x128xf32, #tpu.memory_space<vmem>>, vector<16xf32>,
        %mul3A_116 = arith.mulf %get3A_112, %get3A_115 : vector<16xf32>
        %get3A_117 = arith.index_cast %add3A_102 : i32 to index
        %get3A_118 = arith.constant 32 : index
        %get3A_119 = tpu.vector_load %arg8[%get3A_117, %get3A_118] {strides = array<i32>} : memref<400x128xf32, #tpu.memory_space<vmem>>, vector<16xf32>,
        %get3A_120 = arith.index_cast %add3A_102 : i32 to index
        %get3A_121 = arith.constant 32 : index
        %get3A_122 = tpu.vector_load %arg9[%get3A_120, %get3A_121] {strides = array<i32>} : memref<400x128xf32, #tpu.memory_space<vmem>>, vector<16xf32>,
        %mul3A_123 = arith.mulf %get3A_119, %get3A_122 : vector<16xf32>
        %get3A_124 = arith.index_cast %add3A_102 : i32 to index
        %get3A_125 = arith.constant 48 : index
        %get3A_126 = tpu.vector_load %arg8[%get3A_124, %get3A_125] {strides = array<i32>} : memref<400x128xf32, #tpu.memory_space<vmem>>, vector<16xf32>,
        %get3A_127 = arith.index_cast %add3A_102 : i32 to index
        %get3A_128 = arith.constant 48 : index
        %get3A_129 = tpu.vector_load %arg9[%get3A_127, %get3A_128] {strides = array<i32>} : memref<400x128xf32, #tpu.memory_space<vmem>>, vector<16xf32>,
        %mul3A_130 = arith.mulf %get3A_126, %get3A_129 : vector<16xf32>
        %get3A_131 = arith.index_cast %add3A_102 : i32 to index
        %get3A_132 = arith.constant 64 : index
        %get3A_133 = tpu.vector_load %arg8[%get3A_131, %get3A_132] {strides = array<i32>} : memref<400x128xf32, #tpu.memory_space<vmem>>, vector<16xf32>,
        %get3A_134 = arith.index_cast %add3A_102 : i32 to index
        %get3A_135 = arith.constant 64 : index
        %get3A_136 = tpu.vector_load %arg9[%get3A_134, %get3A_135] {strides = array<i32>} : memref<400x128xf32, #tpu.memory_space<vmem>>, vector<16xf32>,
        %mul3A_137 = arith.mulf %get3A_133, %get3A_136 : vector<16xf32>
        %get3A_138 = arith.index_cast %add3A_102 : i32 to index
        %get3A_139 = arith.constant 80 : index
        %get3A_140 = tpu.vector_load %arg8[%get3A_138, %get3A_139] {strides = array<i32>} : memref<400x128xf32, #tpu.memory_space<vmem>>, vector<16xf32>,
        %get3A_141 = arith.index_cast %add3A_102 : i32 to index
        %get3A_142 = arith.constant 80 : index
        %get3A_143 = tpu.vector_load %arg9[%get3A_141, %get3A_142] {strides = array<i32>} : memref<400x128xf32, #tpu.memory_space<vmem>>, vector<16xf32>,
        %mul3A_144 = arith.mulf %get3A_140, %get3A_143 : vector<16xf32>
        %get3A_145 = arith.index_cast %add3A_102 : i32 to index
        %get3A_146 = arith.constant 96 : index
        %get3A_147 = tpu.vector_load %arg8[%get3A_145, %get3A_146] {strides = array<i32>} : memref<400x128xf32, #tpu.memory_space<vmem>>, vector<16xf32>,
        %get3A_148 = arith.index_cast %add3A_102 : i32 to index
        %get3A_149 = arith.constant 96 : index
        %get3A_150 = tpu.vector_load %arg9[%get3A_148, %get3A_149] {strides = array<i32>} : memref<400x128xf32, #tpu.memory_space<vmem>>, vector<16xf32>,
        %mul3A_151 = arith.mulf %get3A_147, %get3A_150 : vector<16xf32>
        %get3A_152 = arith.index_cast %add3A_102 : i32 to index
        %get3A_153 = arith.constant 112 : index
        %get3A_154 = tpu.vector_load %arg8[%get3A_152, %get3A_153] {strides = array<i32>} : memref<400x128xf32, #tpu.memory_space<vmem>>, vector<16xf32>,
        %get3A_155 = arith.index_cast %add3A_102 : i32 to index
        %get3A_156 = arith.constant 112 : index
        %get3A_157 = tpu.vector_load %arg9[%get3A_155, %get3A_156] {strides = array<i32>} : memref<400x128xf32, #tpu.memory_space<vmem>>, vector<16xf32>,
        %mul3A_158 = arith.mulf %get3A_154, %get3A_157 : vector<16xf32>
        %add3A_159 = arith.addf %mul3A_109, %mul3A_116 : vector<16xf32>
        %add3A_160 = arith.addf %mul3A_123, %mul3A_130 : vector<16xf32>
        %add3A_161 = arith.addf %mul3A_137, %mul3A_144 : vector<16xf32>
        %add3A_162 = arith.addf %mul3A_151, %mul3A_158 : vector<16xf32>
        %add3A_163 = arith.addf %add3A_159, %add3A_160 : vector<16xf32>
        %add3A_164 = arith.addf %add3A_161, %add3A_162 : vector<16xf32>
        %add3A_165 = arith.addf %add3A_163, %add3A_164 : vector<16xf32>
        %add3A_166 = arith.constant 1 : i32
        %add3A_167 = vector.broadcast %add3A_166 : i32 to vector<16xi32>
        %add3A_168 = arith.addi %mul3A_5, %add3A_167 : vector<16xi32>
        tpu.vector_store_idx %arg11[%add3A_168], %add3A_165 : memref<256xf32, #tpu.memory_space<vmem>>[vector<16xi32>], vector<16xf32>,
        %add3A_169 = arith.constant 2 : i32
        %add3A_170 = arith.addi %mul3A_33, %add3A_169 : i32
        %get3A_171 = arith.index_cast %add3A_170 : i32 to index
        %get3A_172 = arith.constant 0 : index
        %get3A_173 = tpu.vector_load %arg8[%get3A_171, %get3A_172] {strides = array<i32>} : memref<400x128xf32, #tpu.memory_space<vmem>>, vector<16xf32>,
        %get3A_174 = arith.index_cast %add3A_170 : i32 to index
        %get3A_175 = arith.constant 0 : index
        %get3A_176 = tpu.vector_load %arg9[%get3A_174, %get3A_175] {strides = array<i32>} : memref<400x128xf32, #tpu.memory_space<vmem>>, vector<16xf32>,
        %mul3A_177 = arith.mulf %get3A_173, %get3A_176 : vector<16xf32>
        %get3A_178 = arith.index_cast %add3A_170 : i32 to index
        %get3A_179 = arith.constant 16 : index
        %get3A_180 = tpu.vector_load %arg8[%get3A_178, %get3A_179] {strides = array<i32>} : memref<400x128xf32, #tpu.memory_space<vmem>>, vector<16xf32>,
        %get3A_181 = arith.index_cast %add3A_170 : i32 to index
        %get3A_182 = arith.constant 16 : index
        %get3A_183 = tpu.vector_load %arg9[%get3A_181, %get3A_182] {strides = array<i32>} : memref<400x128xf32, #tpu.memory_space<vmem>>, vector<16xf32>,
        %mul3A_184 = arith.mulf %get3A_180, %get3A_183 : vector<16xf32>
        %get3A_185 = arith.index_cast %add3A_170 : i32 to index
        %get3A_186 = arith.constant 32 : index
        %get3A_187 = tpu.vector_load %arg8[%get3A_185, %get3A_186] {strides = array<i32>} : memref<400x128xf32, #tpu.memory_space<vmem>>, vector<16xf32>,
        %get3A_188 = arith.index_cast %add3A_170 : i32 to index
        %get3A_189 = arith.constant 32 : index
        %get3A_190 = tpu.vector_load %arg9[%get3A_188, %get3A_189] {strides = array<i32>} : memref<400x128xf32, #tpu.memory_space<vmem>>, vector<16xf32>,
        %mul3A_191 = arith.mulf %get3A_187, %get3A_190 : vector<16xf32>
        %get3A_192 = arith.index_cast %add3A_170 : i32 to index
        %get3A_193 = arith.constant 48 : index
        %get3A_194 = tpu.vector_load %arg8[%get3A_192, %get3A_193] {strides = array<i32>} : memref<400x128xf32, #tpu.memory_space<vmem>>, vector<16xf32>,
        %get3A_195 = arith.index_cast %add3A_170 : i32 to index
        %get3A_196 = arith.constant 48 : index
        %get3A_197 = tpu.vector_load %arg9[%get3A_195, %get3A_196] {strides = array<i32>} : memref<400x128xf32, #tpu.memory_space<vmem>>, vector<16xf32>,
        %mul3A_198 = arith.mulf %get3A_194, %get3A_197 : vector<16xf32>
        %get3A_199 = arith.index_cast %add3A_170 : i32 to index
        %get3A_200 = arith.constant 64 : index
        %get3A_201 = tpu.vector_load %arg8[%get3A_199, %get3A_200] {strides = array<i32>} : memref<400x128xf32, #tpu.memory_space<vmem>>, vector<16xf32>,
        %get3A_202 = arith.index_cast %add3A_170 : i32 to index
        %get3A_203 = arith.constant 64 : index
        %get3A_204 = tpu.vector_load %arg9[%get3A_202, %get3A_203] {strides = array<i32>} : memref<400x128xf32, #tpu.memory_space<vmem>>, vector<16xf32>,
        %mul3A_205 = arith.mulf %get3A_201, %get3A_204 : vector<16xf32>
        %get3A_206 = arith.index_cast %add3A_170 : i32 to index
        %get3A_207 = arith.constant 80 : index
        %get3A_208 = tpu.vector_load %arg8[%get3A_206, %get3A_207] {strides = array<i32>} : memref<400x128xf32, #tpu.memory_space<vmem>>, vector<16xf32>,
        %get3A_209 = arith.index_cast %add3A_170 : i32 to index
        %get3A_210 = arith.constant 80 : index
        %get3A_211 = tpu.vector_load %arg9[%get3A_209, %get3A_210] {strides = array<i32>} : memref<400x128xf32, #tpu.memory_space<vmem>>, vector<16xf32>,
        %mul3A_212 = arith.mulf %get3A_208, %get3A_211 : vector<16xf32>
        %get3A_213 = arith.index_cast %add3A_170 : i32 to index
        %get3A_214 = arith.constant 96 : index
        %get3A_215 = tpu.vector_load %arg8[%get3A_213, %get3A_214] {strides = array<i32>} : memref<400x128xf32, #tpu.memory_space<vmem>>, vector<16xf32>,
        %get3A_216 = arith.index_cast %add3A_170 : i32 to index
        %get3A_217 = arith.constant 96 : index
        %get3A_218 = tpu.vector_load %arg9[%get3A_216, %get3A_217] {strides = array<i32>} : memref<400x128xf32, #tpu.memory_space<vmem>>, vector<16xf32>,
        %mul3A_219 = arith.mulf %get3A_215, %get3A_218 : vector<16xf32>
        %get3A_220 = arith.index_cast %add3A_170 : i32 to index
        %get3A_221 = arith.constant 112 : index
        %get3A_222 = tpu.vector_load %arg8[%get3A_220, %get3A_221] {strides = array<i32>} : memref<400x128xf32, #tpu.memory_space<vmem>>, vector<16xf32>,
        %get3A_223 = arith.index_cast %add3A_170 : i32 to index
        %get3A_224 = arith.constant 112 : index
        %get3A_225 = tpu.vector_load %arg9[%get3A_223, %get3A_224] {strides = array<i32>} : memref<400x128xf32, #tpu.memory_space<vmem>>, vector<16xf32>,
        %mul3A_226 = arith.mulf %get3A_222, %get3A_225 : vector<16xf32>
        %add3A_227 = arith.addf %mul3A_177, %mul3A_184 : vector<16xf32>
        %add3A_228 = arith.addf %mul3A_191, %mul3A_198 : vector<16xf32>
        %add3A_229 = arith.addf %mul3A_205, %mul3A_212 : vector<16xf32>
        %add3A_230 = arith.addf %mul3A_219, %mul3A_226 : vector<16xf32>
        %add3A_231 = arith.addf %add3A_227, %add3A_228 : vector<16xf32>
        %add3A_232 = arith.addf %add3A_229, %add3A_230 : vector<16xf32>
        %add3A_233 = arith.addf %add3A_231, %add3A_232 : vector<16xf32>
        %add3A_234 = arith.constant 2 : i32
        %add3A_235 = vector.broadcast %add3A_234 : i32 to vector<16xi32>
        %add3A_236 = arith.addi %mul3A_5, %add3A_235 : vector<16xi32>
        tpu.vector_store_idx %arg11[%add3A_236], %add3A_233 : memref<256xf32, #tpu.memory_space<vmem>>[vector<16xi32>], vector<16xf32>,
        %add3A_237 = arith.constant 3 : i32
        %add3A_238 = arith.addi %mul3A_33, %add3A_237 : i32
        %get3A_239 = arith.index_cast %add3A_238 : i32 to index
        %get3A_240 = arith.constant 0 : index
        %get3A_241 = tpu.vector_load %arg8[%get3A_239, %get3A_240] {strides = array<i32>} : memref<400x128xf32, #tpu.memory_space<vmem>>, vector<16xf32>,
        %get3A_242 = arith.index_cast %add3A_238 : i32 to index
        %get3A_243 = arith.constant 0 : index
        %get3A_244 = tpu.vector_load %arg9[%get3A_242, %get3A_243] {strides = array<i32>} : memref<400x128xf32, #tpu.memory_space<vmem>>, vector<16xf32>,
        %mul3A_245 = arith.mulf %get3A_241, %get3A_244 : vector<16xf32>
        %get3A_246 = arith.index_cast %add3A_238 : i32 to index
        %get3A_247 = arith.constant 16 : index
        %get3A_248 = tpu.vector_load %arg8[%get3A_246, %get3A_247] {strides = array<i32>} : memref<400x128xf32, #tpu.memory_space<vmem>>, vector<16xf32>,
        %get3A_249 = arith.index_cast %add3A_238 : i32 to index
        %get3A_250 = arith.constant 16 : index
        %get3A_251 = tpu.vector_load %arg9[%get3A_249, %get3A_250] {strides = array<i32>} : memref<400x128xf32, #tpu.memory_space<vmem>>, vector<16xf32>,
        %mul3A_252 = arith.mulf %get3A_248, %get3A_251 : vector<16xf32>
        %get3A_253 = arith.index_cast %add3A_238 : i32 to index
        %get3A_254 = arith.constant 32 : index
        %get3A_255 = tpu.vector_load %arg8[%get3A_253, %get3A_254] {strides = array<i32>} : memref<400x128xf32, #tpu.memory_space<vmem>>, vector<16xf32>,
        %get3A_256 = arith.index_cast %add3A_238 : i32 to index
        %get3A_257 = arith.constant 32 : index
        %get3A_258 = tpu.vector_load %arg9[%get3A_256, %get3A_257] {strides = array<i32>} : memref<400x128xf32, #tpu.memory_space<vmem>>, vector<16xf32>,
        %mul3A_259 = arith.mulf %get3A_255, %get3A_258 : vector<16xf32>
        %get3A_260 = arith.index_cast %add3A_238 : i32 to index
        %get3A_261 = arith.constant 48 : index
        %get3A_262 = tpu.vector_load %arg8[%get3A_260, %get3A_261] {strides = array<i32>} : memref<400x128xf32, #tpu.memory_space<vmem>>, vector<16xf32>,
        %get3A_263 = arith.index_cast %add3A_238 : i32 to index
        %get3A_264 = arith.constant 48 : index
        %get3A_265 = tpu.vector_load %arg9[%get3A_263, %get3A_264] {strides = array<i32>} : memref<400x128xf32, #tpu.memory_space<vmem>>, vector<16xf32>,
        %mul3A_266 = arith.mulf %get3A_262, %get3A_265 : vector<16xf32>
        %get3A_267 = arith.index_cast %add3A_238 : i32 to index
        %get3A_268 = arith.constant 64 : index
        %get3A_269 = tpu.vector_load %arg8[%get3A_267, %get3A_268] {strides = array<i32>} : memref<400x128xf32, #tpu.memory_space<vmem>>, vector<16xf32>,
        %get3A_270 = arith.index_cast %add3A_238 : i32 to index
        %get3A_271 = arith.constant 64 : index
        %get3A_272 = tpu.vector_load %arg9[%get3A_270, %get3A_271] {strides = array<i32>} : memref<400x128xf32, #tpu.memory_space<vmem>>, vector<16xf32>,
        %mul3A_273 = arith.mulf %get3A_269, %get3A_272 : vector<16xf32>
        %get3A_274 = arith.index_cast %add3A_238 : i32 to index
        %get3A_275 = arith.constant 80 : index
        %get3A_276 = tpu.vector_load %arg8[%get3A_274, %get3A_275] {strides = array<i32>} : memref<400x128xf32, #tpu.memory_space<vmem>>, vector<16xf32>,
        %get3A_277 = arith.index_cast %add3A_238 : i32 to index
        %get3A_278 = arith.constant 80 : index
        %get3A_279 = tpu.vector_load %arg9[%get3A_277, %get3A_278] {strides = array<i32>} : memref<400x128xf32, #tpu.memory_space<vmem>>, vector<16xf32>,
        %mul3A_280 = arith.mulf %get3A_276, %get3A_279 : vector<16xf32>
        %get3A_281 = arith.index_cast %add3A_238 : i32 to index
        %get3A_282 = arith.constant 96 : index
        %get3A_283 = tpu.vector_load %arg8[%get3A_281, %get3A_282] {strides = array<i32>} : memref<400x128xf32, #tpu.memory_space<vmem>>, vector<16xf32>,
        %get3A_284 = arith.index_cast %add3A_238 : i32 to index
        %get3A_285 = arith.constant 96 : index
        %get3A_286 = tpu.vector_load %arg9[%get3A_284, %get3A_285] {strides = array<i32>} : memref<400x128xf32, #tpu.memory_space<vmem>>, vector<16xf32>,
        %mul3A_287 = arith.mulf %get3A_283, %get3A_286 : vector<16xf32>
        %get3A_288 = arith.index_cast %add3A_238 : i32 to index
        %get3A_289 = arith.constant 112 : index
        %get3A_290 = tpu.vector_load %arg8[%get3A_288, %get3A_289] {strides = array<i32>} : memref<400x128xf32, #tpu.memory_space<vmem>>, vector<16xf32>,
        %get3A_291 = arith.index_cast %add3A_238 : i32 to index
        %get3A_292 = arith.constant 112 : index
        %get3A_293 = tpu.vector_load %arg9[%get3A_291, %get3A_292] {strides = array<i32>} : memref<400x128xf32, #tpu.memory_space<vmem>>, vector<16xf32>,
        %mul3A_294 = arith.mulf %get3A_290, %get3A_293 : vector<16xf32>
        %add3A_295 = arith.addf %mul3A_245, %mul3A_252 : vector<16xf32>
        %add3A_296 = arith.addf %mul3A_259, %mul3A_266 : vector<16xf32>
        %add3A_297 = arith.addf %mul3A_273, %mul3A_280 : vector<16xf32>
        %add3A_298 = arith.addf %mul3A_287, %mul3A_294 : vector<16xf32>
        %add3A_299 = arith.addf %add3A_295, %add3A_296 : vector<16xf32>
        %add3A_300 = arith.addf %add3A_297, %add3A_298 : vector<16xf32>
        %add3A_301 = arith.addf %add3A_299, %add3A_300 : vector<16xf32>
        %add3A_302 = arith.constant 3 : i32
        %add3A_303 = vector.broadcast %add3A_302 : i32 to vector<16xi32>
        %add3A_304 = arith.addi %mul3A_5, %add3A_303 : vector<16xi32>
        tpu.vector_store_idx %arg11[%add3A_304], %add3A_301 : memref<256xf32, #tpu.memory_space<vmem>>[vector<16xi32>], vector<16xf32>,
        %add3A_305 = arith.constant 4 : i32
        %add3A_306 = arith.addi %mul3A_33, %add3A_305 : i32
        %get3A_307 = arith.index_cast %add3A_306 : i32 to index
        %get3A_308 = arith.constant 0 : index
        %get3A_309 = tpu.vector_load %arg8[%get3A_307, %get3A_308] {strides = array<i32>} : memref<400x128xf32, #tpu.memory_space<vmem>>, vector<16xf32>,
        %get3A_310 = arith.index_cast %add3A_306 : i32 to index
        %get3A_311 = arith.constant 0 : index
        %get3A_312 = tpu.vector_load %arg9[%get3A_310, %get3A_311] {strides = array<i32>} : memref<400x128xf32, #tpu.memory_space<vmem>>, vector<16xf32>,
        %mul3A_313 = arith.mulf %get3A_309, %get3A_312 : vector<16xf32>
        %get3A_314 = arith.index_cast %add3A_306 : i32 to index
        %get3A_315 = arith.constant 16 : index
        %get3A_316 = tpu.vector_load %arg8[%get3A_314, %get3A_315] {strides = array<i32>} : memref<400x128xf32, #tpu.memory_space<vmem>>, vector<16xf32>,
        %get3A_317 = arith.index_cast %add3A_306 : i32 to index
        %get3A_318 = arith.constant 16 : index
        %get3A_319 = tpu.vector_load %arg9[%get3A_317, %get3A_318] {strides = array<i32>} : memref<400x128xf32, #tpu.memory_space<vmem>>, vector<16xf32>,
        %mul3A_320 = arith.mulf %get3A_316, %get3A_319 : vector<16xf32>
        %get3A_321 = arith.index_cast %add3A_306 : i32 to index
        %get3A_322 = arith.constant 32 : index
        %get3A_323 = tpu.vector_load %arg8[%get3A_321, %get3A_322] {strides = array<i32>} : memref<400x128xf32, #tpu.memory_space<vmem>>, vector<16xf32>,
        %get3A_324 = arith.index_cast %add3A_306 : i32 to index
        %get3A_325 = arith.constant 32 : index
        %get3A_326 = tpu.vector_load %arg9[%get3A_324, %get3A_325] {strides = array<i32>} : memref<400x128xf32, #tpu.memory_space<vmem>>, vector<16xf32>,
        %mul3A_327 = arith.mulf %get3A_323, %get3A_326 : vector<16xf32>
        %get3A_328 = arith.index_cast %add3A_306 : i32 to index
        %get3A_329 = arith.constant 48 : index
        %get3A_330 = tpu.vector_load %arg8[%get3A_328, %get3A_329] {strides = array<i32>} : memref<400x128xf32, #tpu.memory_space<vmem>>, vector<16xf32>,
        %get3A_331 = arith.index_cast %add3A_306 : i32 to index
        %get3A_332 = arith.constant 48 : index
        %get3A_333 = tpu.vector_load %arg9[%get3A_331, %get3A_332] {strides = array<i32>} : memref<400x128xf32, #tpu.memory_space<vmem>>, vector<16xf32>,
        %mul3A_334 = arith.mulf %get3A_330, %get3A_333 : vector<16xf32>
        %get3A_335 = arith.index_cast %add3A_306 : i32 to index
        %get3A_336 = arith.constant 64 : index
        %get3A_337 = tpu.vector_load %arg8[%get3A_335, %get3A_336] {strides = array<i32>} : memref<400x128xf32, #tpu.memory_space<vmem>>, vector<16xf32>,
        %get3A_338 = arith.index_cast %add3A_306 : i32 to index
        %get3A_339 = arith.constant 64 : index
        %get3A_340 = tpu.vector_load %arg9[%get3A_338, %get3A_339] {strides = array<i32>} : memref<400x128xf32, #tpu.memory_space<vmem>>, vector<16xf32>,
        %mul3A_341 = arith.mulf %get3A_337, %get3A_340 : vector<16xf32>
        %get3A_342 = arith.index_cast %add3A_306 : i32 to index
        %get3A_343 = arith.constant 80 : index
        %get3A_344 = tpu.vector_load %arg8[%get3A_342, %get3A_343] {strides = array<i32>} : memref<400x128xf32, #tpu.memory_space<vmem>>, vector<16xf32>,
        %get3A_345 = arith.index_cast %add3A_306 : i32 to index
        %get3A_346 = arith.constant 80 : index
        %get3A_347 = tpu.vector_load %arg9[%get3A_345, %get3A_346] {strides = array<i32>} : memref<400x128xf32, #tpu.memory_space<vmem>>, vector<16xf32>,
        %mul3A_348 = arith.mulf %get3A_344, %get3A_347 : vector<16xf32>
        %get3A_349 = arith.index_cast %add3A_306 : i32 to index
        %get3A_350 = arith.constant 96 : index
        %get3A_351 = tpu.vector_load %arg8[%get3A_349, %get3A_350] {strides = array<i32>} : memref<400x128xf32, #tpu.memory_space<vmem>>, vector<16xf32>,
        %get3A_352 = arith.index_cast %add3A_306 : i32 to index
        %get3A_353 = arith.constant 96 : index
        %get3A_354 = tpu.vector_load %arg9[%get3A_352, %get3A_353] {strides = array<i32>} : memref<400x128xf32, #tpu.memory_space<vmem>>, vector<16xf32>,
        %mul3A_355 = arith.mulf %get3A_351, %get3A_354 : vector<16xf32>
        %get3A_356 = arith.index_cast %add3A_306 : i32 to index
        %get3A_357 = arith.constant 112 : index
        %get3A_358 = tpu.vector_load %arg8[%get3A_356, %get3A_357] {strides = array<i32>} : memref<400x128xf32, #tpu.memory_space<vmem>>, vector<16xf32>,
        %get3A_359 = arith.index_cast %add3A_306 : i32 to index
        %get3A_360 = arith.constant 112 : index
        %get3A_361 = tpu.vector_load %arg9[%get3A_359, %get3A_360] {strides = array<i32>} : memref<400x128xf32, #tpu.memory_space<vmem>>, vector<16xf32>,
        %mul3A_362 = arith.mulf %get3A_358, %get3A_361 : vector<16xf32>
        %add3A_363 = arith.addf %mul3A_313, %mul3A_320 : vector<16xf32>
        %add3A_364 = arith.addf %mul3A_327, %mul3A_334 : vector<16xf32>
        %add3A_365 = arith.addf %mul3A_341, %mul3A_348 : vector<16xf32>
        %add3A_366 = arith.addf %mul3A_355, %mul3A_362 : vector<16xf32>
        %add3A_367 = arith.addf %add3A_363, %add3A_364 : vector<16xf32>
        %add3A_368 = arith.addf %add3A_365, %add3A_366 : vector<16xf32>
        %add3A_369 = arith.addf %add3A_367, %add3A_368 : vector<16xf32>
        %add3A_370 = arith.constant 4 : i32
        %add3A_371 = vector.broadcast %add3A_370 : i32 to vector<16xi32>
        %add3A_372 = arith.addi %mul3A_5, %add3A_371 : vector<16xi32>
        tpu.vector_store_idx %arg11[%add3A_372], %add3A_369 : memref<256xf32, #tpu.memory_space<vmem>>[vector<16xi32>], vector<16xf32>,
        %add3A_373 = arith.constant 5 : i32
        %add3A_374 = arith.addi %mul3A_33, %add3A_373 : i32
        %get3A_375 = arith.index_cast %add3A_374 : i32 to index
        %get3A_376 = arith.constant 0 : index
        %get3A_377 = tpu.vector_load %arg8[%get3A_375, %get3A_376] {strides = array<i32>} : memref<400x128xf32, #tpu.memory_space<vmem>>, vector<16xf32>,
        %get3A_378 = arith.index_cast %add3A_374 : i32 to index
        %get3A_379 = arith.constant 0 : index
        %get3A_380 = tpu.vector_load %arg9[%get3A_378, %get3A_379] {strides = array<i32>} : memref<400x128xf32, #tpu.memory_space<vmem>>, vector<16xf32>,
        %mul3A_381 = arith.mulf %get3A_377, %get3A_380 : vector<16xf32>
        %get3A_382 = arith.index_cast %add3A_374 : i32 to index
        %get3A_383 = arith.constant 16 : index
        %get3A_384 = tpu.vector_load %arg8[%get3A_382, %get3A_383] {strides = array<i32>} : memref<400x128xf32, #tpu.memory_space<vmem>>, vector<16xf32>,
        %get3A_385 = arith.index_cast %add3A_374 : i32 to index
        %get3A_386 = arith.constant 16 : index
        %get3A_387 = tpu.vector_load %arg9[%get3A_385, %get3A_386] {strides = array<i32>} : memref<400x128xf32, #tpu.memory_space<vmem>>, vector<16xf32>,
        %mul3A_388 = arith.mulf %get3A_384, %get3A_387 : vector<16xf32>
        %get3A_389 = arith.index_cast %add3A_374 : i32 to index
        %get3A_390 = arith.constant 32 : index
        %get3A_391 = tpu.vector_load %arg8[%get3A_389, %get3A_390] {strides = array<i32>} : memref<400x128xf32, #tpu.memory_space<vmem>>, vector<16xf32>,
        %get3A_392 = arith.index_cast %add3A_374 : i32 to index
        %get3A_393 = arith.constant 32 : index
        %get3A_394 = tpu.vector_load %arg9[%get3A_392, %get3A_393] {strides = array<i32>} : memref<400x128xf32, #tpu.memory_space<vmem>>, vector<16xf32>,
        %mul3A_395 = arith.mulf %get3A_391, %get3A_394 : vector<16xf32>
        %get3A_396 = arith.index_cast %add3A_374 : i32 to index
        %get3A_397 = arith.constant 48 : index
        %get3A_398 = tpu.vector_load %arg8[%get3A_396, %get3A_397] {strides = array<i32>} : memref<400x128xf32, #tpu.memory_space<vmem>>, vector<16xf32>,
        %get3A_399 = arith.index_cast %add3A_374 : i32 to index
        %get3A_400 = arith.constant 48 : index
        %get3A_401 = tpu.vector_load %arg9[%get3A_399, %get3A_400] {strides = array<i32>} : memref<400x128xf32, #tpu.memory_space<vmem>>, vector<16xf32>,
        %mul3A_402 = arith.mulf %get3A_398, %get3A_401 : vector<16xf32>
        %get3A_403 = arith.index_cast %add3A_374 : i32 to index
        %get3A_404 = arith.constant 64 : index
        %get3A_405 = tpu.vector_load %arg8[%get3A_403, %get3A_404] {strides = array<i32>} : memref<400x128xf32, #tpu.memory_space<vmem>>, vector<16xf32>,
        %get3A_406 = arith.index_cast %add3A_374 : i32 to index
        %get3A_407 = arith.constant 64 : index
        %get3A_408 = tpu.vector_load %arg9[%get3A_406, %get3A_407] {strides = array<i32>} : memref<400x128xf32, #tpu.memory_space<vmem>>, vector<16xf32>,
        %mul3A_409 = arith.mulf %get3A_405, %get3A_408 : vector<16xf32>
        %get3A_410 = arith.index_cast %add3A_374 : i32 to index
        %get3A_411 = arith.constant 80 : index
        %get3A_412 = tpu.vector_load %arg8[%get3A_410, %get3A_411] {strides = array<i32>} : memref<400x128xf32, #tpu.memory_space<vmem>>, vector<16xf32>,
        %get3A_413 = arith.index_cast %add3A_374 : i32 to index
        %get3A_414 = arith.constant 80 : index
        %get3A_415 = tpu.vector_load %arg9[%get3A_413, %get3A_414] {strides = array<i32>} : memref<400x128xf32, #tpu.memory_space<vmem>>, vector<16xf32>,
        %mul3A_416 = arith.mulf %get3A_412, %get3A_415 : vector<16xf32>
        %get3A_417 = arith.index_cast %add3A_374 : i32 to index
        %get3A_418 = arith.constant 96 : index
        %get3A_419 = tpu.vector_load %arg8[%get3A_417, %get3A_418] {strides = array<i32>} : memref<400x128xf32, #tpu.memory_space<vmem>>, vector<16xf32>,
        %get3A_420 = arith.index_cast %add3A_374 : i32 to index
        %get3A_421 = arith.constant 96 : index
        %get3A_422 = tpu.vector_load %arg9[%get3A_420, %get3A_421] {strides = array<i32>} : memref<400x128xf32, #tpu.memory_space<vmem>>, vector<16xf32>,
        %mul3A_423 = arith.mulf %get3A_419, %get3A_422 : vector<16xf32>
        %get3A_424 = arith.index_cast %add3A_374 : i32 to index
        %get3A_425 = arith.constant 112 : index
        %get3A_426 = tpu.vector_load %arg8[%get3A_424, %get3A_425] {strides = array<i32>} : memref<400x128xf32, #tpu.memory_space<vmem>>, vector<16xf32>,
        %get3A_427 = arith.index_cast %add3A_374 : i32 to index
        %get3A_428 = arith.constant 112 : index
        %get3A_429 = tpu.vector_load %arg9[%get3A_427, %get3A_428] {strides = array<i32>} : memref<400x128xf32, #tpu.memory_space<vmem>>, vector<16xf32>,
        %mul3A_430 = arith.mulf %get3A_426, %get3A_429 : vector<16xf32>
        %add3A_431 = arith.addf %mul3A_381, %mul3A_388 : vector<16xf32>
        %add3A_432 = arith.addf %mul3A_395, %mul3A_402 : vector<16xf32>
        %add3A_433 = arith.addf %mul3A_409, %mul3A_416 : vector<16xf32>
        %add3A_434 = arith.addf %mul3A_423, %mul3A_430 : vector<16xf32>
        %add3A_435 = arith.addf %add3A_431, %add3A_432 : vector<16xf32>
        %add3A_436 = arith.addf %add3A_433, %add3A_434 : vector<16xf32>
        %add3A_437 = arith.addf %add3A_435, %add3A_436 : vector<16xf32>
        %add3A_438 = arith.constant 5 : i32
        %add3A_439 = vector.broadcast %add3A_438 : i32 to vector<16xi32>
        %add3A_440 = arith.addi %mul3A_5, %add3A_439 : vector<16xi32>
        tpu.vector_store_idx %arg11[%add3A_440], %add3A_437 : memref<256xf32, #tpu.memory_space<vmem>>[vector<16xi32>], vector<16xf32>,
        %add3A_441 = arith.constant 6 : i32
        %add3A_442 = arith.addi %mul3A_33, %add3A_441 : i32
        %get3A_443 = arith.index_cast %add3A_442 : i32 to index
        %get3A_444 = arith.constant 0 : index
        %get3A_445 = tpu.vector_load %arg8[%get3A_443, %get3A_444] {strides = array<i32>} : memref<400x128xf32, #tpu.memory_space<vmem>>, vector<16xf32>,
        %get3A_446 = arith.index_cast %add3A_442 : i32 to index
        %get3A_447 = arith.constant 0 : index
        %get3A_448 = tpu.vector_load %arg9[%get3A_446, %get3A_447] {strides = array<i32>} : memref<400x128xf32, #tpu.memory_space<vmem>>, vector<16xf32>,
        %mul3A_449 = arith.mulf %get3A_445, %get3A_448 : vector<16xf32>
        %get3A_450 = arith.index_cast %add3A_442 : i32 to index
        %get3A_451 = arith.constant 16 : index
        %get3A_452 = tpu.vector_load %arg8[%get3A_450, %get3A_451] {strides = array<i32>} : memref<400x128xf32, #tpu.memory_space<vmem>>, vector<16xf32>,
        %get3A_453 = arith.index_cast %add3A_442 : i32 to index
        %get3A_454 = arith.constant 16 : index
        %get3A_455 = tpu.vector_load %arg9[%get3A_453, %get3A_454] {strides = array<i32>} : memref<400x128xf32, #tpu.memory_space<vmem>>, vector<16xf32>,
        %mul3A_456 = arith.mulf %get3A_452, %get3A_455 : vector<16xf32>
        %get3A_457 = arith.index_cast %add3A_442 : i32 to index
        %get3A_458 = arith.constant 32 : index
        %get3A_459 = tpu.vector_load %arg8[%get3A_457, %get3A_458] {strides = array<i32>} : memref<400x128xf32, #tpu.memory_space<vmem>>, vector<16xf32>,
        %get3A_460 = arith.index_cast %add3A_442 : i32 to index
        %get3A_461 = arith.constant 32 : index
        %get3A_462 = tpu.vector_load %arg9[%get3A_460, %get3A_461] {strides = array<i32>} : memref<400x128xf32, #tpu.memory_space<vmem>>, vector<16xf32>,
        %mul3A_463 = arith.mulf %get3A_459, %get3A_462 : vector<16xf32>
        %get3A_464 = arith.index_cast %add3A_442 : i32 to index
        %get3A_465 = arith.constant 48 : index
        %get3A_466 = tpu.vector_load %arg8[%get3A_464, %get3A_465] {strides = array<i32>} : memref<400x128xf32, #tpu.memory_space<vmem>>, vector<16xf32>,
        %get3A_467 = arith.index_cast %add3A_442 : i32 to index
        %get3A_468 = arith.constant 48 : index
        %get3A_469 = tpu.vector_load %arg9[%get3A_467, %get3A_468] {strides = array<i32>} : memref<400x128xf32, #tpu.memory_space<vmem>>, vector<16xf32>,
        %mul3A_470 = arith.mulf %get3A_466, %get3A_469 : vector<16xf32>
        %get3A_471 = arith.index_cast %add3A_442 : i32 to index
        %get3A_472 = arith.constant 64 : index
        %get3A_473 = tpu.vector_load %arg8[%get3A_471, %get3A_472] {strides = array<i32>} : memref<400x128xf32, #tpu.memory_space<vmem>>, vector<16xf32>,
        %get3A_474 = arith.index_cast %add3A_442 : i32 to index
        %get3A_475 = arith.constant 64 : index
        %get3A_476 = tpu.vector_load %arg9[%get3A_474, %get3A_475] {strides = array<i32>} : memref<400x128xf32, #tpu.memory_space<vmem>>, vector<16xf32>,
        %mul3A_477 = arith.mulf %get3A_473, %get3A_476 : vector<16xf32>
        %get3A_478 = arith.index_cast %add3A_442 : i32 to index
        %get3A_479 = arith.constant 80 : index
        %get3A_480 = tpu.vector_load %arg8[%get3A_478, %get3A_479] {strides = array<i32>} : memref<400x128xf32, #tpu.memory_space<vmem>>, vector<16xf32>,
        %get3A_481 = arith.index_cast %add3A_442 : i32 to index
        %get3A_482 = arith.constant 80 : index
        %get3A_483 = tpu.vector_load %arg9[%get3A_481, %get3A_482] {strides = array<i32>} : memref<400x128xf32, #tpu.memory_space<vmem>>, vector<16xf32>,
        %mul3A_484 = arith.mulf %get3A_480, %get3A_483 : vector<16xf32>
        %get3A_485 = arith.index_cast %add3A_442 : i32 to index
        %get3A_486 = arith.constant 96 : index
        %get3A_487 = tpu.vector_load %arg8[%get3A_485, %get3A_486] {strides = array<i32>} : memref<400x128xf32, #tpu.memory_space<vmem>>, vector<16xf32>,
        %get3A_488 = arith.index_cast %add3A_442 : i32 to index
        %get3A_489 = arith.constant 96 : index
        %get3A_490 = tpu.vector_load %arg9[%get3A_488, %get3A_489] {strides = array<i32>} : memref<400x128xf32, #tpu.memory_space<vmem>>, vector<16xf32>,
        %mul3A_491 = arith.mulf %get3A_487, %get3A_490 : vector<16xf32>
        %get3A_492 = arith.index_cast %add3A_442 : i32 to index
        %get3A_493 = arith.constant 112 : index
        %get3A_494 = tpu.vector_load %arg8[%get3A_492, %get3A_493] {strides = array<i32>} : memref<400x128xf32, #tpu.memory_space<vmem>>, vector<16xf32>,
        %get3A_495 = arith.index_cast %add3A_442 : i32 to index
        %get3A_496 = arith.constant 112 : index
        %get3A_497 = tpu.vector_load %arg9[%get3A_495, %get3A_496] {strides = array<i32>} : memref<400x128xf32, #tpu.memory_space<vmem>>, vector<16xf32>,
        %mul3A_498 = arith.mulf %get3A_494, %get3A_497 : vector<16xf32>
        %add3A_499 = arith.addf %mul3A_449, %mul3A_456 : vector<16xf32>
        %add3A_500 = arith.addf %mul3A_463, %mul3A_470 : vector<16xf32>
        %add3A_501 = arith.addf %mul3A_477, %mul3A_484 : vector<16xf32>
        %add3A_502 = arith.addf %mul3A_491, %mul3A_498 : vector<16xf32>
        %add3A_503 = arith.addf %add3A_499, %add3A_500 : vector<16xf32>
        %add3A_504 = arith.addf %add3A_501, %add3A_502 : vector<16xf32>
        %add3A_505 = arith.addf %add3A_503, %add3A_504 : vector<16xf32>
        %add3A_506 = arith.constant 6 : i32
        %add3A_507 = vector.broadcast %add3A_506 : i32 to vector<16xi32>
        %add3A_508 = arith.addi %mul3A_5, %add3A_507 : vector<16xi32>
        tpu.vector_store_idx %arg11[%add3A_508], %add3A_505 : memref<256xf32, #tpu.memory_space<vmem>>[vector<16xi32>], vector<16xf32>,
        %add3A_509 = arith.constant 7 : i32
        %add3A_510 = arith.addi %mul3A_33, %add3A_509 : i32
        %get3A_511 = arith.index_cast %add3A_510 : i32 to index
        %get3A_512 = arith.constant 0 : index
        %get3A_513 = tpu.vector_load %arg8[%get3A_511, %get3A_512] {strides = array<i32>} : memref<400x128xf32, #tpu.memory_space<vmem>>, vector<16xf32>,
        %get3A_514 = arith.index_cast %add3A_510 : i32 to index
        %get3A_515 = arith.constant 0 : index
        %get3A_516 = tpu.vector_load %arg9[%get3A_514, %get3A_515] {strides = array<i32>} : memref<400x128xf32, #tpu.memory_space<vmem>>, vector<16xf32>,
        %mul3A_517 = arith.mulf %get3A_513, %get3A_516 : vector<16xf32>
        %get3A_518 = arith.index_cast %add3A_510 : i32 to index
        %get3A_519 = arith.constant 16 : index
        %get3A_520 = tpu.vector_load %arg8[%get3A_518, %get3A_519] {strides = array<i32>} : memref<400x128xf32, #tpu.memory_space<vmem>>, vector<16xf32>,
        %get3A_521 = arith.index_cast %add3A_510 : i32 to index
        %get3A_522 = arith.constant 16 : index
        %get3A_523 = tpu.vector_load %arg9[%get3A_521, %get3A_522] {strides = array<i32>} : memref<400x128xf32, #tpu.memory_space<vmem>>, vector<16xf32>,
        %mul3A_524 = arith.mulf %get3A_520, %get3A_523 : vector<16xf32>
        %get3A_525 = arith.index_cast %add3A_510 : i32 to index
        %get3A_526 = arith.constant 32 : index
        %get3A_527 = tpu.vector_load %arg8[%get3A_525, %get3A_526] {strides = array<i32>} : memref<400x128xf32, #tpu.memory_space<vmem>>, vector<16xf32>,
        %get3A_528 = arith.index_cast %add3A_510 : i32 to index
        %get3A_529 = arith.constant 32 : index
        %get3A_530 = tpu.vector_load %arg9[%get3A_528, %get3A_529] {strides = array<i32>} : memref<400x128xf32, #tpu.memory_space<vmem>>, vector<16xf32>,
        %mul3A_531 = arith.mulf %get3A_527, %get3A_530 : vector<16xf32>
        %get3A_532 = arith.index_cast %add3A_510 : i32 to index
        %get3A_533 = arith.constant 48 : index
        %get3A_534 = tpu.vector_load %arg8[%get3A_532, %get3A_533] {strides = array<i32>} : memref<400x128xf32, #tpu.memory_space<vmem>>, vector<16xf32>,
        %get3A_535 = arith.index_cast %add3A_510 : i32 to index
        %get3A_536 = arith.constant 48 : index
        %get3A_537 = tpu.vector_load %arg9[%get3A_535, %get3A_536] {strides = array<i32>} : memref<400x128xf32, #tpu.memory_space<vmem>>, vector<16xf32>,
        %mul3A_538 = arith.mulf %get3A_534, %get3A_537 : vector<16xf32>
        %get3A_539 = arith.index_cast %add3A_510 : i32 to index
        %get3A_540 = arith.constant 64 : index
        %get3A_541 = tpu.vector_load %arg8[%get3A_539, %get3A_540] {strides = array<i32>} : memref<400x128xf32, #tpu.memory_space<vmem>>, vector<16xf32>,
        %get3A_542 = arith.index_cast %add3A_510 : i32 to index
        %get3A_543 = arith.constant 64 : index
        %get3A_544 = tpu.vector_load %arg9[%get3A_542, %get3A_543] {strides = array<i32>} : memref<400x128xf32, #tpu.memory_space<vmem>>, vector<16xf32>,
        %mul3A_545 = arith.mulf %get3A_541, %get3A_544 : vector<16xf32>
        %get3A_546 = arith.index_cast %add3A_510 : i32 to index
        %get3A_547 = arith.constant 80 : index
        %get3A_548 = tpu.vector_load %arg8[%get3A_546, %get3A_547] {strides = array<i32>} : memref<400x128xf32, #tpu.memory_space<vmem>>, vector<16xf32>,
        %get3A_549 = arith.index_cast %add3A_510 : i32 to index
        %get3A_550 = arith.constant 80 : index
        %get3A_551 = tpu.vector_load %arg9[%get3A_549, %get3A_550] {strides = array<i32>} : memref<400x128xf32, #tpu.memory_space<vmem>>, vector<16xf32>,
        %mul3A_552 = arith.mulf %get3A_548, %get3A_551 : vector<16xf32>
        %get3A_553 = arith.index_cast %add3A_510 : i32 to index
        %get3A_554 = arith.constant 96 : index
        %get3A_555 = tpu.vector_load %arg8[%get3A_553, %get3A_554] {strides = array<i32>} : memref<400x128xf32, #tpu.memory_space<vmem>>, vector<16xf32>,
        %get3A_556 = arith.index_cast %add3A_510 : i32 to index
        %get3A_557 = arith.constant 96 : index
        %get3A_558 = tpu.vector_load %arg9[%get3A_556, %get3A_557] {strides = array<i32>} : memref<400x128xf32, #tpu.memory_space<vmem>>, vector<16xf32>,
        %mul3A_559 = arith.mulf %get3A_555, %get3A_558 : vector<16xf32>
        %get3A_560 = arith.index_cast %add3A_510 : i32 to index
        %get3A_561 = arith.constant 112 : index
        %get3A_562 = tpu.vector_load %arg8[%get3A_560, %get3A_561] {strides = array<i32>} : memref<400x128xf32, #tpu.memory_space<vmem>>, vector<16xf32>,
        %get3A_563 = arith.index_cast %add3A_510 : i32 to index
        %get3A_564 = arith.constant 112 : index
        %get3A_565 = tpu.vector_load %arg9[%get3A_563, %get3A_564] {strides = array<i32>} : memref<400x128xf32, #tpu.memory_space<vmem>>, vector<16xf32>,
        %mul3A_566 = arith.mulf %get3A_562, %get3A_565 : vector<16xf32>
        %add3A_567 = arith.addf %mul3A_517, %mul3A_524 : vector<16xf32>
        %add3A_568 = arith.addf %mul3A_531, %mul3A_538 : vector<16xf32>
        %add3A_569 = arith.addf %mul3A_545, %mul3A_552 : vector<16xf32>
        %add3A_570 = arith.addf %mul3A_559, %mul3A_566 : vector<16xf32>
        %add3A_571 = arith.addf %add3A_567, %add3A_568 : vector<16xf32>
        %add3A_572 = arith.addf %add3A_569, %add3A_570 : vector<16xf32>
        %add3A_573 = arith.addf %add3A_571, %add3A_572 : vector<16xf32>
        %add3A_574 = arith.constant 7 : i32
        %add3A_575 = vector.broadcast %add3A_574 : i32 to vector<16xi32>
        %add3A_576 = arith.addi %mul3A_5, %add3A_575 : vector<16xi32>
        tpu.vector_store_idx %arg11[%add3A_576], %add3A_573 : memref<256xf32, #tpu.memory_space<vmem>>[vector<16xi32>], vector<16xf32>,
        %add3A_577 = arith.constant 8 : i32
        %add3A_578 = arith.addi %mul3A_33, %add3A_577 : i32
        %get3A_579 = arith.index_cast %add3A_578 : i32 to index
        %get3A_580 = arith.constant 0 : index
        %get3A_581 = tpu.vector_load %arg8[%get3A_579, %get3A_580] {strides = array<i32>} : memref<400x128xf32, #tpu.memory_space<vmem>>, vector<16xf32>,
        %get3A_582 = arith.index_cast %add3A_578 : i32 to index
        %get3A_583 = arith.constant 0 : index
        %get3A_584 = tpu.vector_load %arg9[%get3A_582, %get3A_583] {strides = array<i32>} : memref<400x128xf32, #tpu.memory_space<vmem>>, vector<16xf32>,
        %mul3A_585 = arith.mulf %get3A_581, %get3A_584 : vector<16xf32>
        %get3A_586 = arith.index_cast %add3A_578 : i32 to index
        %get3A_587 = arith.constant 16 : index
        %get3A_588 = tpu.vector_load %arg8[%get3A_586, %get3A_587] {strides = array<i32>} : memref<400x128xf32, #tpu.memory_space<vmem>>, vector<16xf32>,
        %get3A_589 = arith.index_cast %add3A_578 : i32 to index
        %get3A_590 = arith.constant 16 : index
        %get3A_591 = tpu.vector_load %arg9[%get3A_589, %get3A_590] {strides = array<i32>} : memref<400x128xf32, #tpu.memory_space<vmem>>, vector<16xf32>,
        %mul3A_592 = arith.mulf %get3A_588, %get3A_591 : vector<16xf32>
        %get3A_593 = arith.index_cast %add3A_578 : i32 to index
        %get3A_594 = arith.constant 32 : index
        %get3A_595 = tpu.vector_load %arg8[%get3A_593, %get3A_594] {strides = array<i32>} : memref<400x128xf32, #tpu.memory_space<vmem>>, vector<16xf32>,
        %get3A_596 = arith.index_cast %add3A_578 : i32 to index
        %get3A_597 = arith.constant 32 : index
        %get3A_598 = tpu.vector_load %arg9[%get3A_596, %get3A_597] {strides = array<i32>} : memref<400x128xf32, #tpu.memory_space<vmem>>, vector<16xf32>,
        %mul3A_599 = arith.mulf %get3A_595, %get3A_598 : vector<16xf32>
        %get3A_600 = arith.index_cast %add3A_578 : i32 to index
        %get3A_601 = arith.constant 48 : index
        %get3A_602 = tpu.vector_load %arg8[%get3A_600, %get3A_601] {strides = array<i32>} : memref<400x128xf32, #tpu.memory_space<vmem>>, vector<16xf32>,
        %get3A_603 = arith.index_cast %add3A_578 : i32 to index
        %get3A_604 = arith.constant 48 : index
        %get3A_605 = tpu.vector_load %arg9[%get3A_603, %get3A_604] {strides = array<i32>} : memref<400x128xf32, #tpu.memory_space<vmem>>, vector<16xf32>,
        %mul3A_606 = arith.mulf %get3A_602, %get3A_605 : vector<16xf32>
        %get3A_607 = arith.index_cast %add3A_578 : i32 to index
        %get3A_608 = arith.constant 64 : index
        %get3A_609 = tpu.vector_load %arg8[%get3A_607, %get3A_608] {strides = array<i32>} : memref<400x128xf32, #tpu.memory_space<vmem>>, vector<16xf32>,
        %get3A_610 = arith.index_cast %add3A_578 : i32 to index
        %get3A_611 = arith.constant 64 : index
        %get3A_612 = tpu.vector_load %arg9[%get3A_610, %get3A_611] {strides = array<i32>} : memref<400x128xf32, #tpu.memory_space<vmem>>, vector<16xf32>,
        %mul3A_613 = arith.mulf %get3A_609, %get3A_612 : vector<16xf32>
        %get3A_614 = arith.index_cast %add3A_578 : i32 to index
        %get3A_615 = arith.constant 80 : index
        %get3A_616 = tpu.vector_load %arg8[%get3A_614, %get3A_615] {strides = array<i32>} : memref<400x128xf32, #tpu.memory_space<vmem>>, vector<16xf32>,
        %get3A_617 = arith.index_cast %add3A_578 : i32 to index
        %get3A_618 = arith.constant 80 : index
        %get3A_619 = tpu.vector_load %arg9[%get3A_617, %get3A_618] {strides = array<i32>} : memref<400x128xf32, #tpu.memory_space<vmem>>, vector<16xf32>,
        %mul3A_620 = arith.mulf %get3A_616, %get3A_619 : vector<16xf32>
        %get3A_621 = arith.index_cast %add3A_578 : i32 to index
        %get3A_622 = arith.constant 96 : index
        %get3A_623 = tpu.vector_load %arg8[%get3A_621, %get3A_622] {strides = array<i32>} : memref<400x128xf32, #tpu.memory_space<vmem>>, vector<16xf32>,
        %get3A_624 = arith.index_cast %add3A_578 : i32 to index
        %get3A_625 = arith.constant 96 : index
        %get3A_626 = tpu.vector_load %arg9[%get3A_624, %get3A_625] {strides = array<i32>} : memref<400x128xf32, #tpu.memory_space<vmem>>, vector<16xf32>,
        %mul3A_627 = arith.mulf %get3A_623, %get3A_626 : vector<16xf32>
        %get3A_628 = arith.index_cast %add3A_578 : i32 to index
        %get3A_629 = arith.constant 112 : index
        %get3A_630 = tpu.vector_load %arg8[%get3A_628, %get3A_629] {strides = array<i32>} : memref<400x128xf32, #tpu.memory_space<vmem>>, vector<16xf32>,
        %get3A_631 = arith.index_cast %add3A_578 : i32 to index
        %get3A_632 = arith.constant 112 : index
        %get3A_633 = tpu.vector_load %arg9[%get3A_631, %get3A_632] {strides = array<i32>} : memref<400x128xf32, #tpu.memory_space<vmem>>, vector<16xf32>,
        %mul3A_634 = arith.mulf %get3A_630, %get3A_633 : vector<16xf32>
        %add3A_635 = arith.addf %mul3A_585, %mul3A_592 : vector<16xf32>
        %add3A_636 = arith.addf %mul3A_599, %mul3A_606 : vector<16xf32>
        %add3A_637 = arith.addf %mul3A_613, %mul3A_620 : vector<16xf32>
        %add3A_638 = arith.addf %mul3A_627, %mul3A_634 : vector<16xf32>
        %add3A_639 = arith.addf %add3A_635, %add3A_636 : vector<16xf32>
        %add3A_640 = arith.addf %add3A_637, %add3A_638 : vector<16xf32>
        %add3A_641 = arith.addf %add3A_639, %add3A_640 : vector<16xf32>
        %add3A_642 = arith.constant 8 : i32
        %add3A_643 = vector.broadcast %add3A_642 : i32 to vector<16xi32>
        %add3A_644 = arith.addi %mul3A_5, %add3A_643 : vector<16xi32>
        tpu.vector_store_idx %arg11[%add3A_644], %add3A_641 : memref<256xf32, #tpu.memory_space<vmem>>[vector<16xi32>], vector<16xf32>,
        %add3A_645 = arith.constant 9 : i32
        %add3A_646 = arith.addi %mul3A_33, %add3A_645 : i32
        %get3A_647 = arith.index_cast %add3A_646 : i32 to index
        %get3A_648 = arith.constant 0 : index
        %get3A_649 = tpu.vector_load %arg8[%get3A_647, %get3A_648] {strides = array<i32>} : memref<400x128xf32, #tpu.memory_space<vmem>>, vector<16xf32>,
        %get3A_650 = arith.index_cast %add3A_646 : i32 to index
        %get3A_651 = arith.constant 0 : index
        %get3A_652 = tpu.vector_load %arg9[%get3A_650, %get3A_651] {strides = array<i32>} : memref<400x128xf32, #tpu.memory_space<vmem>>, vector<16xf32>,
        %mul3A_653 = arith.mulf %get3A_649, %get3A_652 : vector<16xf32>
        %get3A_654 = arith.index_cast %add3A_646 : i32 to index
        %get3A_655 = arith.constant 16 : index
        %get3A_656 = tpu.vector_load %arg8[%get3A_654, %get3A_655] {strides = array<i32>} : memref<400x128xf32, #tpu.memory_space<vmem>>, vector<16xf32>,
        %get3A_657 = arith.index_cast %add3A_646 : i32 to index
        %get3A_658 = arith.constant 16 : index
        %get3A_659 = tpu.vector_load %arg9[%get3A_657, %get3A_658] {strides = array<i32>} : memref<400x128xf32, #tpu.memory_space<vmem>>, vector<16xf32>,
        %mul3A_660 = arith.mulf %get3A_656, %get3A_659 : vector<16xf32>
        %get3A_661 = arith.index_cast %add3A_646 : i32 to index
        %get3A_662 = arith.constant 32 : index
        %get3A_663 = tpu.vector_load %arg8[%get3A_661, %get3A_662] {strides = array<i32>} : memref<400x128xf32, #tpu.memory_space<vmem>>, vector<16xf32>,
        %get3A_664 = arith.index_cast %add3A_646 : i32 to index
        %get3A_665 = arith.constant 32 : index
        %get3A_666 = tpu.vector_load %arg9[%get3A_664, %get3A_665] {strides = array<i32>} : memref<400x128xf32, #tpu.memory_space<vmem>>, vector<16xf32>,
        %mul3A_667 = arith.mulf %get3A_663, %get3A_666 : vector<16xf32>
        %get3A_668 = arith.index_cast %add3A_646 : i32 to index
        %get3A_669 = arith.constant 48 : index
        %get3A_670 = tpu.vector_load %arg8[%get3A_668, %get3A_669] {strides = array<i32>} : memref<400x128xf32, #tpu.memory_space<vmem>>, vector<16xf32>,
        %get3A_671 = arith.index_cast %add3A_646 : i32 to index
        %get3A_672 = arith.constant 48 : index
        %get3A_673 = tpu.vector_load %arg9[%get3A_671, %get3A_672] {strides = array<i32>} : memref<400x128xf32, #tpu.memory_space<vmem>>, vector<16xf32>,
        %mul3A_674 = arith.mulf %get3A_670, %get3A_673 : vector<16xf32>
        %get3A_675 = arith.index_cast %add3A_646 : i32 to index
        %get3A_676 = arith.constant 64 : index
        %get3A_677 = tpu.vector_load %arg8[%get3A_675, %get3A_676] {strides = array<i32>} : memref<400x128xf32, #tpu.memory_space<vmem>>, vector<16xf32>,
        %get3A_678 = arith.index_cast %add3A_646 : i32 to index
        %get3A_679 = arith.constant 64 : index
        %get3A_680 = tpu.vector_load %arg9[%get3A_678, %get3A_679] {strides = array<i32>} : memref<400x128xf32, #tpu.memory_space<vmem>>, vector<16xf32>,
        %mul3A_681 = arith.mulf %get3A_677, %get3A_680 : vector<16xf32>
        %get3A_682 = arith.index_cast %add3A_646 : i32 to index
        %get3A_683 = arith.constant 80 : index
        %get3A_684 = tpu.vector_load %arg8[%get3A_682, %get3A_683] {strides = array<i32>} : memref<400x128xf32, #tpu.memory_space<vmem>>, vector<16xf32>,
        %get3A_685 = arith.index_cast %add3A_646 : i32 to index
        %get3A_686 = arith.constant 80 : index
        %get3A_687 = tpu.vector_load %arg9[%get3A_685, %get3A_686] {strides = array<i32>} : memref<400x128xf32, #tpu.memory_space<vmem>>, vector<16xf32>,
        %mul3A_688 = arith.mulf %get3A_684, %get3A_687 : vector<16xf32>
        %get3A_689 = arith.index_cast %add3A_646 : i32 to index
        %get3A_690 = arith.constant 96 : index
        %get3A_691 = tpu.vector_load %arg8[%get3A_689, %get3A_690] {strides = array<i32>} : memref<400x128xf32, #tpu.memory_space<vmem>>, vector<16xf32>,
        %get3A_692 = arith.index_cast %add3A_646 : i32 to index
        %get3A_693 = arith.constant 96 : index
        %get3A_694 = tpu.vector_load %arg9[%get3A_692, %get3A_693] {strides = array<i32>} : memref<400x128xf32, #tpu.memory_space<vmem>>, vector<16xf32>,
        %mul3A_695 = arith.mulf %get3A_691, %get3A_694 : vector<16xf32>
        %get3A_696 = arith.index_cast %add3A_646 : i32 to index
        %get3A_697 = arith.constant 112 : index
        %get3A_698 = tpu.vector_load %arg8[%get3A_696, %get3A_697] {strides = array<i32>} : memref<400x128xf32, #tpu.memory_space<vmem>>, vector<16xf32>,
        %get3A_699 = arith.index_cast %add3A_646 : i32 to index
        %get3A_700 = arith.constant 112 : index
        %get3A_701 = tpu.vector_load %arg9[%get3A_699, %get3A_700] {strides = array<i32>} : memref<400x128xf32, #tpu.memory_space<vmem>>, vector<16xf32>,
        %mul3A_702 = arith.mulf %get3A_698, %get3A_701 : vector<16xf32>
        %add3A_703 = arith.addf %mul3A_653, %mul3A_660 : vector<16xf32>
        %add3A_704 = arith.addf %mul3A_667, %mul3A_674 : vector<16xf32>
        %add3A_705 = arith.addf %mul3A_681, %mul3A_688 : vector<16xf32>
        %add3A_706 = arith.addf %mul3A_695, %mul3A_702 : vector<16xf32>
        %add3A_707 = arith.addf %add3A_703, %add3A_704 : vector<16xf32>
        %add3A_708 = arith.addf %add3A_705, %add3A_706 : vector<16xf32>
        %add3A_709 = arith.addf %add3A_707, %add3A_708 : vector<16xf32>
        %add3A_710 = arith.constant 9 : i32
        %add3A_711 = vector.broadcast %add3A_710 : i32 to vector<16xi32>
        %add3A_712 = arith.addi %mul3A_5, %add3A_711 : vector<16xi32>
        tpu.vector_store_idx %arg11[%add3A_712], %add3A_709 : memref<256xf32, #tpu.memory_space<vmem>>[vector<16xi32>], vector<16xf32>,
        %add3A_713 = arith.constant 10 : i32
        %add3A_714 = arith.addi %mul3A_33, %add3A_713 : i32
        %get3A_715 = arith.index_cast %add3A_714 : i32 to index
        %get3A_716 = arith.constant 0 : index
        %get3A_717 = tpu.vector_load %arg8[%get3A_715, %get3A_716] {strides = array<i32>} : memref<400x128xf32, #tpu.memory_space<vmem>>, vector<16xf32>,
        %get3A_718 = arith.index_cast %add3A_714 : i32 to index
        %get3A_719 = arith.constant 0 : index
        %get3A_720 = tpu.vector_load %arg9[%get3A_718, %get3A_719] {strides = array<i32>} : memref<400x128xf32, #tpu.memory_space<vmem>>, vector<16xf32>,
        %mul3A_721 = arith.mulf %get3A_717, %get3A_720 : vector<16xf32>
        %get3A_722 = arith.index_cast %add3A_714 : i32 to index
        %get3A_723 = arith.constant 16 : index
        %get3A_724 = tpu.vector_load %arg8[%get3A_722, %get3A_723] {strides = array<i32>} : memref<400x128xf32, #tpu.memory_space<vmem>>, vector<16xf32>,
        %get3A_725 = arith.index_cast %add3A_714 : i32 to index
        %get3A_726 = arith.constant 16 : index
        %get3A_727 = tpu.vector_load %arg9[%get3A_725, %get3A_726] {strides = array<i32>} : memref<400x128xf32, #tpu.memory_space<vmem>>, vector<16xf32>,
        %mul3A_728 = arith.mulf %get3A_724, %get3A_727 : vector<16xf32>
        %get3A_729 = arith.index_cast %add3A_714 : i32 to index
        %get3A_730 = arith.constant 32 : index
        %get3A_731 = tpu.vector_load %arg8[%get3A_729, %get3A_730] {strides = array<i32>} : memref<400x128xf32, #tpu.memory_space<vmem>>, vector<16xf32>,
        %get3A_732 = arith.index_cast %add3A_714 : i32 to index
        %get3A_733 = arith.constant 32 : index
        %get3A_734 = tpu.vector_load %arg9[%get3A_732, %get3A_733] {strides = array<i32>} : memref<400x128xf32, #tpu.memory_space<vmem>>, vector<16xf32>,
        %mul3A_735 = arith.mulf %get3A_731, %get3A_734 : vector<16xf32>
        %get3A_736 = arith.index_cast %add3A_714 : i32 to index
        %get3A_737 = arith.constant 48 : index
        %get3A_738 = tpu.vector_load %arg8[%get3A_736, %get3A_737] {strides = array<i32>} : memref<400x128xf32, #tpu.memory_space<vmem>>, vector<16xf32>,
        %get3A_739 = arith.index_cast %add3A_714 : i32 to index
        %get3A_740 = arith.constant 48 : index
        %get3A_741 = tpu.vector_load %arg9[%get3A_739, %get3A_740] {strides = array<i32>} : memref<400x128xf32, #tpu.memory_space<vmem>>, vector<16xf32>,
        %mul3A_742 = arith.mulf %get3A_738, %get3A_741 : vector<16xf32>
        %get3A_743 = arith.index_cast %add3A_714 : i32 to index
        %get3A_744 = arith.constant 64 : index
        %get3A_745 = tpu.vector_load %arg8[%get3A_743, %get3A_744] {strides = array<i32>} : memref<400x128xf32, #tpu.memory_space<vmem>>, vector<16xf32>,
        %get3A_746 = arith.index_cast %add3A_714 : i32 to index
        %get3A_747 = arith.constant 64 : index
        %get3A_748 = tpu.vector_load %arg9[%get3A_746, %get3A_747] {strides = array<i32>} : memref<400x128xf32, #tpu.memory_space<vmem>>, vector<16xf32>,
        %mul3A_749 = arith.mulf %get3A_745, %get3A_748 : vector<16xf32>
        %get3A_750 = arith.index_cast %add3A_714 : i32 to index
        %get3A_751 = arith.constant 80 : index
        %get3A_752 = tpu.vector_load %arg8[%get3A_750, %get3A_751] {strides = array<i32>} : memref<400x128xf32, #tpu.memory_space<vmem>>, vector<16xf32>,
        %get3A_753 = arith.index_cast %add3A_714 : i32 to index
        %get3A_754 = arith.constant 80 : index
        %get3A_755 = tpu.vector_load %arg9[%get3A_753, %get3A_754] {strides = array<i32>} : memref<400x128xf32, #tpu.memory_space<vmem>>, vector<16xf32>,
        %mul3A_756 = arith.mulf %get3A_752, %get3A_755 : vector<16xf32>
        %get3A_757 = arith.index_cast %add3A_714 : i32 to index
        %get3A_758 = arith.constant 96 : index
        %get3A_759 = tpu.vector_load %arg8[%get3A_757, %get3A_758] {strides = array<i32>} : memref<400x128xf32, #tpu.memory_space<vmem>>, vector<16xf32>,
        %get3A_760 = arith.index_cast %add3A_714 : i32 to index
        %get3A_761 = arith.constant 96 : index
        %get3A_762 = tpu.vector_load %arg9[%get3A_760, %get3A_761] {strides = array<i32>} : memref<400x128xf32, #tpu.memory_space<vmem>>, vector<16xf32>,
        %mul3A_763 = arith.mulf %get3A_759, %get3A_762 : vector<16xf32>
        %get3A_764 = arith.index_cast %add3A_714 : i32 to index
        %get3A_765 = arith.constant 112 : index
        %get3A_766 = tpu.vector_load %arg8[%get3A_764, %get3A_765] {strides = array<i32>} : memref<400x128xf32, #tpu.memory_space<vmem>>, vector<16xf32>,
        %get3A_767 = arith.index_cast %add3A_714 : i32 to index
        %get3A_768 = arith.constant 112 : index
        %get3A_769 = tpu.vector_load %arg9[%get3A_767, %get3A_768] {strides = array<i32>} : memref<400x128xf32, #tpu.memory_space<vmem>>, vector<16xf32>,
        %mul3A_770 = arith.mulf %get3A_766, %get3A_769 : vector<16xf32>
        %add3A_771 = arith.addf %mul3A_721, %mul3A_728 : vector<16xf32>
        %add3A_772 = arith.addf %mul3A_735, %mul3A_742 : vector<16xf32>
        %add3A_773 = arith.addf %mul3A_749, %mul3A_756 : vector<16xf32>
        %add3A_774 = arith.addf %mul3A_763, %mul3A_770 : vector<16xf32>
        %add3A_775 = arith.addf %add3A_771, %add3A_772 : vector<16xf32>
        %add3A_776 = arith.addf %add3A_773, %add3A_774 : vector<16xf32>
        %add3A_777 = arith.addf %add3A_775, %add3A_776 : vector<16xf32>
        %add3A_778 = arith.constant 10 : i32
        %add3A_779 = vector.broadcast %add3A_778 : i32 to vector<16xi32>
        %add3A_780 = arith.addi %mul3A_5, %add3A_779 : vector<16xi32>
        tpu.vector_store_idx %arg11[%add3A_780], %add3A_777 : memref<256xf32, #tpu.memory_space<vmem>>[vector<16xi32>], vector<16xf32>,
        %add3A_781 = arith.constant 11 : i32
        %add3A_782 = arith.addi %mul3A_33, %add3A_781 : i32
        %get3A_783 = arith.index_cast %add3A_782 : i32 to index
        %get3A_784 = arith.constant 0 : index
        %get3A_785 = tpu.vector_load %arg8[%get3A_783, %get3A_784] {strides = array<i32>} : memref<400x128xf32, #tpu.memory_space<vmem>>, vector<16xf32>,
        %get3A_786 = arith.index_cast %add3A_782 : i32 to index
        %get3A_787 = arith.constant 0 : index
        %get3A_788 = tpu.vector_load %arg9[%get3A_786, %get3A_787] {strides = array<i32>} : memref<400x128xf32, #tpu.memory_space<vmem>>, vector<16xf32>,
        %mul3A_789 = arith.mulf %get3A_785, %get3A_788 : vector<16xf32>
        %get3A_790 = arith.index_cast %add3A_782 : i32 to index
        %get3A_791 = arith.constant 16 : index
        %get3A_792 = tpu.vector_load %arg8[%get3A_790, %get3A_791] {strides = array<i32>} : memref<400x128xf32, #tpu.memory_space<vmem>>, vector<16xf32>,
        %get3A_793 = arith.index_cast %add3A_782 : i32 to index
        %get3A_794 = arith.constant 16 : index
        %get3A_795 = tpu.vector_load %arg9[%get3A_793, %get3A_794] {strides = array<i32>} : memref<400x128xf32, #tpu.memory_space<vmem>>, vector<16xf32>,
        %mul3A_796 = arith.mulf %get3A_792, %get3A_795 : vector<16xf32>
        %get3A_797 = arith.index_cast %add3A_782 : i32 to index
        %get3A_798 = arith.constant 32 : index
        %get3A_799 = tpu.vector_load %arg8[%get3A_797, %get3A_798] {strides = array<i32>} : memref<400x128xf32, #tpu.memory_space<vmem>>, vector<16xf32>,
        %get3A_800 = arith.index_cast %add3A_782 : i32 to index
        %get3A_801 = arith.constant 32 : index
        %get3A_802 = tpu.vector_load %arg9[%get3A_800, %get3A_801] {strides = array<i32>} : memref<400x128xf32, #tpu.memory_space<vmem>>, vector<16xf32>,
        %mul3A_803 = arith.mulf %get3A_799, %get3A_802 : vector<16xf32>
        %get3A_804 = arith.index_cast %add3A_782 : i32 to index
        %get3A_805 = arith.constant 48 : index
        %get3A_806 = tpu.vector_load %arg8[%get3A_804, %get3A_805] {strides = array<i32>} : memref<400x128xf32, #tpu.memory_space<vmem>>, vector<16xf32>,
        %get3A_807 = arith.index_cast %add3A_782 : i32 to index
        %get3A_808 = arith.constant 48 : index
        %get3A_809 = tpu.vector_load %arg9[%get3A_807, %get3A_808] {strides = array<i32>} : memref<400x128xf32, #tpu.memory_space<vmem>>, vector<16xf32>,
        %mul3A_810 = arith.mulf %get3A_806, %get3A_809 : vector<16xf32>
        %get3A_811 = arith.index_cast %add3A_782 : i32 to index
        %get3A_812 = arith.constant 64 : index
        %get3A_813 = tpu.vector_load %arg8[%get3A_811, %get3A_812] {strides = array<i32>} : memref<400x128xf32, #tpu.memory_space<vmem>>, vector<16xf32>,
        %get3A_814 = arith.index_cast %add3A_782 : i32 to index
        %get3A_815 = arith.constant 64 : index
        %get3A_816 = tpu.vector_load %arg9[%get3A_814, %get3A_815] {strides = array<i32>} : memref<400x128xf32, #tpu.memory_space<vmem>>, vector<16xf32>,
        %mul3A_817 = arith.mulf %get3A_813, %get3A_816 : vector<16xf32>
        %get3A_818 = arith.index_cast %add3A_782 : i32 to index
        %get3A_819 = arith.constant 80 : index
        %get3A_820 = tpu.vector_load %arg8[%get3A_818, %get3A_819] {strides = array<i32>} : memref<400x128xf32, #tpu.memory_space<vmem>>, vector<16xf32>,
        %get3A_821 = arith.index_cast %add3A_782 : i32 to index
        %get3A_822 = arith.constant 80 : index
        %get3A_823 = tpu.vector_load %arg9[%get3A_821, %get3A_822] {strides = array<i32>} : memref<400x128xf32, #tpu.memory_space<vmem>>, vector<16xf32>,
        %mul3A_824 = arith.mulf %get3A_820, %get3A_823 : vector<16xf32>
        %get3A_825 = arith.index_cast %add3A_782 : i32 to index
        %get3A_826 = arith.constant 96 : index
        %get3A_827 = tpu.vector_load %arg8[%get3A_825, %get3A_826] {strides = array<i32>} : memref<400x128xf32, #tpu.memory_space<vmem>>, vector<16xf32>,
        %get3A_828 = arith.index_cast %add3A_782 : i32 to index
        %get3A_829 = arith.constant 96 : index
        %get3A_830 = tpu.vector_load %arg9[%get3A_828, %get3A_829] {strides = array<i32>} : memref<400x128xf32, #tpu.memory_space<vmem>>, vector<16xf32>,
        %mul3A_831 = arith.mulf %get3A_827, %get3A_830 : vector<16xf32>
        %get3A_832 = arith.index_cast %add3A_782 : i32 to index
        %get3A_833 = arith.constant 112 : index
        %get3A_834 = tpu.vector_load %arg8[%get3A_832, %get3A_833] {strides = array<i32>} : memref<400x128xf32, #tpu.memory_space<vmem>>, vector<16xf32>,
        %get3A_835 = arith.index_cast %add3A_782 : i32 to index
        %get3A_836 = arith.constant 112 : index
        %get3A_837 = tpu.vector_load %arg9[%get3A_835, %get3A_836] {strides = array<i32>} : memref<400x128xf32, #tpu.memory_space<vmem>>, vector<16xf32>,
        %mul3A_838 = arith.mulf %get3A_834, %get3A_837 : vector<16xf32>
        %add3A_839 = arith.addf %mul3A_789, %mul3A_796 : vector<16xf32>
        %add3A_840 = arith.addf %mul3A_803, %mul3A_810 : vector<16xf32>
        %add3A_841 = arith.addf %mul3A_817, %mul3A_824 : vector<16xf32>
        %add3A_842 = arith.addf %mul3A_831, %mul3A_838 : vector<16xf32>
        %add3A_843 = arith.addf %add3A_839, %add3A_840 : vector<16xf32>
        %add3A_844 = arith.addf %add3A_841, %add3A_842 : vector<16xf32>
        %add3A_845 = arith.addf %add3A_843, %add3A_844 : vector<16xf32>
        %add3A_846 = arith.constant 11 : i32
        %add3A_847 = vector.broadcast %add3A_846 : i32 to vector<16xi32>
        %add3A_848 = arith.addi %mul3A_5, %add3A_847 : vector<16xi32>
        tpu.vector_store_idx %arg11[%add3A_848], %add3A_845 : memref<256xf32, #tpu.memory_space<vmem>>[vector<16xi32>], vector<16xf32>,
        %add3A_849 = arith.constant 12 : i32
        %add3A_850 = arith.addi %mul3A_33, %add3A_849 : i32
        %get3A_851 = arith.index_cast %add3A_850 : i32 to index
        %get3A_852 = arith.constant 0 : index
        %get3A_853 = tpu.vector_load %arg8[%get3A_851, %get3A_852] {strides = array<i32>} : memref<400x128xf32, #tpu.memory_space<vmem>>, vector<16xf32>,
        %get3A_854 = arith.index_cast %add3A_850 : i32 to index
        %get3A_855 = arith.constant 0 : index
        %get3A_856 = tpu.vector_load %arg9[%get3A_854, %get3A_855] {strides = array<i32>} : memref<400x128xf32, #tpu.memory_space<vmem>>, vector<16xf32>,
        %mul3A_857 = arith.mulf %get3A_853, %get3A_856 : vector<16xf32>
        %get3A_858 = arith.index_cast %add3A_850 : i32 to index
        %get3A_859 = arith.constant 16 : index
        %get3A_860 = tpu.vector_load %arg8[%get3A_858, %get3A_859] {strides = array<i32>} : memref<400x128xf32, #tpu.memory_space<vmem>>, vector<16xf32>,
        %get3A_861 = arith.index_cast %add3A_850 : i32 to index
        %get3A_862 = arith.constant 16 : index
        %get3A_863 = tpu.vector_load %arg9[%get3A_861, %get3A_862] {strides = array<i32>} : memref<400x128xf32, #tpu.memory_space<vmem>>, vector<16xf32>,
        %mul3A_864 = arith.mulf %get3A_860, %get3A_863 : vector<16xf32>
        %get3A_865 = arith.index_cast %add3A_850 : i32 to index
        %get3A_866 = arith.constant 32 : index
        %get3A_867 = tpu.vector_load %arg8[%get3A_865, %get3A_866] {strides = array<i32>} : memref<400x128xf32, #tpu.memory_space<vmem>>, vector<16xf32>,
        %get3A_868 = arith.index_cast %add3A_850 : i32 to index
        %get3A_869 = arith.constant 32 : index
        %get3A_870 = tpu.vector_load %arg9[%get3A_868, %get3A_869] {strides = array<i32>} : memref<400x128xf32, #tpu.memory_space<vmem>>, vector<16xf32>,
        %mul3A_871 = arith.mulf %get3A_867, %get3A_870 : vector<16xf32>
        %get3A_872 = arith.index_cast %add3A_850 : i32 to index
        %get3A_873 = arith.constant 48 : index
        %get3A_874 = tpu.vector_load %arg8[%get3A_872, %get3A_873] {strides = array<i32>} : memref<400x128xf32, #tpu.memory_space<vmem>>, vector<16xf32>,
        %get3A_875 = arith.index_cast %add3A_850 : i32 to index
        %get3A_876 = arith.constant 48 : index
        %get3A_877 = tpu.vector_load %arg9[%get3A_875, %get3A_876] {strides = array<i32>} : memref<400x128xf32, #tpu.memory_space<vmem>>, vector<16xf32>,
        %mul3A_878 = arith.mulf %get3A_874, %get3A_877 : vector<16xf32>
        %get3A_879 = arith.index_cast %add3A_850 : i32 to index
        %get3A_880 = arith.constant 64 : index
        %get3A_881 = tpu.vector_load %arg8[%get3A_879, %get3A_880] {strides = array<i32>} : memref<400x128xf32, #tpu.memory_space<vmem>>, vector<16xf32>,
        %get3A_882 = arith.index_cast %add3A_850 : i32 to index
        %get3A_883 = arith.constant 64 : index
        %get3A_884 = tpu.vector_load %arg9[%get3A_882, %get3A_883] {strides = array<i32>} : memref<400x128xf32, #tpu.memory_space<vmem>>, vector<16xf32>,
        %mul3A_885 = arith.mulf %get3A_881, %get3A_884 : vector<16xf32>
        %get3A_886 = arith.index_cast %add3A_850 : i32 to index
        %get3A_887 = arith.constant 80 : index
        %get3A_888 = tpu.vector_load %arg8[%get3A_886, %get3A_887] {strides = array<i32>} : memref<400x128xf32, #tpu.memory_space<vmem>>, vector<16xf32>,
        %get3A_889 = arith.index_cast %add3A_850 : i32 to index
        %get3A_890 = arith.constant 80 : index
        %get3A_891 = tpu.vector_load %arg9[%get3A_889, %get3A_890] {strides = array<i32>} : memref<400x128xf32, #tpu.memory_space<vmem>>, vector<16xf32>,
        %mul3A_892 = arith.mulf %get3A_888, %get3A_891 : vector<16xf32>
        %get3A_893 = arith.index_cast %add3A_850 : i32 to index
        %get3A_894 = arith.constant 96 : index
        %get3A_895 = tpu.vector_load %arg8[%get3A_893, %get3A_894] {strides = array<i32>} : memref<400x128xf32, #tpu.memory_space<vmem>>, vector<16xf32>,
        %get3A_896 = arith.index_cast %add3A_850 : i32 to index
        %get3A_897 = arith.constant 96 : index
        %get3A_898 = tpu.vector_load %arg9[%get3A_896, %get3A_897] {strides = array<i32>} : memref<400x128xf32, #tpu.memory_space<vmem>>, vector<16xf32>,
        %mul3A_899 = arith.mulf %get3A_895, %get3A_898 : vector<16xf32>
        %get3A_900 = arith.index_cast %add3A_850 : i32 to index
        %get3A_901 = arith.constant 112 : index
        %get3A_902 = tpu.vector_load %arg8[%get3A_900, %get3A_901] {strides = array<i32>} : memref<400x128xf32, #tpu.memory_space<vmem>>, vector<16xf32>,
        %get3A_903 = arith.index_cast %add3A_850 : i32 to index
        %get3A_904 = arith.constant 112 : index
        %get3A_905 = tpu.vector_load %arg9[%get3A_903, %get3A_904] {strides = array<i32>} : memref<400x128xf32, #tpu.memory_space<vmem>>, vector<16xf32>,
        %mul3A_906 = arith.mulf %get3A_902, %get3A_905 : vector<16xf32>
        %add3A_907 = arith.addf %mul3A_857, %mul3A_864 : vector<16xf32>
        %add3A_908 = arith.addf %mul3A_871, %mul3A_878 : vector<16xf32>
        %add3A_909 = arith.addf %mul3A_885, %mul3A_892 : vector<16xf32>
        %add3A_910 = arith.addf %mul3A_899, %mul3A_906 : vector<16xf32>
        %add3A_911 = arith.addf %add3A_907, %add3A_908 : vector<16xf32>
        %add3A_912 = arith.addf %add3A_909, %add3A_910 : vector<16xf32>
        %add3A_913 = arith.addf %add3A_911, %add3A_912 : vector<16xf32>
        %add3A_914 = arith.constant 12 : i32
        %add3A_915 = vector.broadcast %add3A_914 : i32 to vector<16xi32>
        %add3A_916 = arith.addi %mul3A_5, %add3A_915 : vector<16xi32>
        tpu.vector_store_idx %arg11[%add3A_916], %add3A_913 : memref<256xf32, #tpu.memory_space<vmem>>[vector<16xi32>], vector<16xf32>,
        %add3A_917 = arith.constant 13 : i32
        %add3A_918 = arith.addi %mul3A_33, %add3A_917 : i32
        %get3A_919 = arith.index_cast %add3A_918 : i32 to index
        %get3A_920 = arith.constant 0 : index
        %get3A_921 = tpu.vector_load %arg8[%get3A_919, %get3A_920] {strides = array<i32>} : memref<400x128xf32, #tpu.memory_space<vmem>>, vector<16xf32>,
        %get3A_922 = arith.index_cast %add3A_918 : i32 to index
        %get3A_923 = arith.constant 0 : index
        %get3A_924 = tpu.vector_load %arg9[%get3A_922, %get3A_923] {strides = array<i32>} : memref<400x128xf32, #tpu.memory_space<vmem>>, vector<16xf32>,
        %mul3A_925 = arith.mulf %get3A_921, %get3A_924 : vector<16xf32>
        %get3A_926 = arith.index_cast %add3A_918 : i32 to index
        %get3A_927 = arith.constant 16 : index
        %get3A_928 = tpu.vector_load %arg8[%get3A_926, %get3A_927] {strides = array<i32>} : memref<400x128xf32, #tpu.memory_space<vmem>>, vector<16xf32>,
        %get3A_929 = arith.index_cast %add3A_918 : i32 to index
        %get3A_930 = arith.constant 16 : index
        %get3A_931 = tpu.vector_load %arg9[%get3A_929, %get3A_930] {strides = array<i32>} : memref<400x128xf32, #tpu.memory_space<vmem>>, vector<16xf32>,
        %mul3A_932 = arith.mulf %get3A_928, %get3A_931 : vector<16xf32>
        %get3A_933 = arith.index_cast %add3A_918 : i32 to index
        %get3A_934 = arith.constant 32 : index
        %get3A_935 = tpu.vector_load %arg8[%get3A_933, %get3A_934] {strides = array<i32>} : memref<400x128xf32, #tpu.memory_space<vmem>>, vector<16xf32>,
        %get3A_936 = arith.index_cast %add3A_918 : i32 to index
        %get3A_937 = arith.constant 32 : index
        %get3A_938 = tpu.vector_load %arg9[%get3A_936, %get3A_937] {strides = array<i32>} : memref<400x128xf32, #tpu.memory_space<vmem>>, vector<16xf32>,
        %mul3A_939 = arith.mulf %get3A_935, %get3A_938 : vector<16xf32>
        %get3A_940 = arith.index_cast %add3A_918 : i32 to index
        %get3A_941 = arith.constant 48 : index
        %get3A_942 = tpu.vector_load %arg8[%get3A_940, %get3A_941] {strides = array<i32>} : memref<400x128xf32, #tpu.memory_space<vmem>>, vector<16xf32>,
        %get3A_943 = arith.index_cast %add3A_918 : i32 to index
        %get3A_944 = arith.constant 48 : index
        %get3A_945 = tpu.vector_load %arg9[%get3A_943, %get3A_944] {strides = array<i32>} : memref<400x128xf32, #tpu.memory_space<vmem>>, vector<16xf32>,
        %mul3A_946 = arith.mulf %get3A_942, %get3A_945 : vector<16xf32>
        %get3A_947 = arith.index_cast %add3A_918 : i32 to index
        %get3A_948 = arith.constant 64 : index
        %get3A_949 = tpu.vector_load %arg8[%get3A_947, %get3A_948] {strides = array<i32>} : memref<400x128xf32, #tpu.memory_space<vmem>>, vector<16xf32>,
        %get3A_950 = arith.index_cast %add3A_918 : i32 to index
        %get3A_951 = arith.constant 64 : index
        %get3A_952 = tpu.vector_load %arg9[%get3A_950, %get3A_951] {strides = array<i32>} : memref<400x128xf32, #tpu.memory_space<vmem>>, vector<16xf32>,
        %mul3A_953 = arith.mulf %get3A_949, %get3A_952 : vector<16xf32>
        %get3A_954 = arith.index_cast %add3A_918 : i32 to index
        %get3A_955 = arith.constant 80 : index
        %get3A_956 = tpu.vector_load %arg8[%get3A_954, %get3A_955] {strides = array<i32>} : memref<400x128xf32, #tpu.memory_space<vmem>>, vector<16xf32>,
        %get3A_957 = arith.index_cast %add3A_918 : i32 to index
        %get3A_958 = arith.constant 80 : index
        %get3A_959 = tpu.vector_load %arg9[%get3A_957, %get3A_958] {strides = array<i32>} : memref<400x128xf32, #tpu.memory_space<vmem>>, vector<16xf32>,
        %mul3A_960 = arith.mulf %get3A_956, %get3A_959 : vector<16xf32>
        %get3A_961 = arith.index_cast %add3A_918 : i32 to index
        %get3A_962 = arith.constant 96 : index
        %get3A_963 = tpu.vector_load %arg8[%get3A_961, %get3A_962] {strides = array<i32>} : memref<400x128xf32, #tpu.memory_space<vmem>>, vector<16xf32>,
        %get3A_964 = arith.index_cast %add3A_918 : i32 to index
        %get3A_965 = arith.constant 96 : index
        %get3A_966 = tpu.vector_load %arg9[%get3A_964, %get3A_965] {strides = array<i32>} : memref<400x128xf32, #tpu.memory_space<vmem>>, vector<16xf32>,
        %mul3A_967 = arith.mulf %get3A_963, %get3A_966 : vector<16xf32>
        %get3A_968 = arith.index_cast %add3A_918 : i32 to index
        %get3A_969 = arith.constant 112 : index
        %get3A_970 = tpu.vector_load %arg8[%get3A_968, %get3A_969] {strides = array<i32>} : memref<400x128xf32, #tpu.memory_space<vmem>>, vector<16xf32>,
        %get3A_971 = arith.index_cast %add3A_918 : i32 to index
        %get3A_972 = arith.constant 112 : index
        %get3A_973 = tpu.vector_load %arg9[%get3A_971, %get3A_972] {strides = array<i32>} : memref<400x128xf32, #tpu.memory_space<vmem>>, vector<16xf32>,
        %mul3A_974 = arith.mulf %get3A_970, %get3A_973 : vector<16xf32>
        %add3A_975 = arith.addf %mul3A_925, %mul3A_932 : vector<16xf32>
        %add3A_976 = arith.addf %mul3A_939, %mul3A_946 : vector<16xf32>
        %add3A_977 = arith.addf %mul3A_953, %mul3A_960 : vector<16xf32>
        %add3A_978 = arith.addf %mul3A_967, %mul3A_974 : vector<16xf32>
        %add3A_979 = arith.addf %add3A_975, %add3A_976 : vector<16xf32>
        %add3A_980 = arith.addf %add3A_977, %add3A_978 : vector<16xf32>
        %add3A_981 = arith.addf %add3A_979, %add3A_980 : vector<16xf32>
        %add3A_982 = arith.constant 13 : i32
        %add3A_983 = vector.broadcast %add3A_982 : i32 to vector<16xi32>
        %add3A_984 = arith.addi %mul3A_5, %add3A_983 : vector<16xi32>
        tpu.vector_store_idx %arg11[%add3A_984], %add3A_981 : memref<256xf32, #tpu.memory_space<vmem>>[vector<16xi32>], vector<16xf32>,
        %add3A_985 = arith.constant 14 : i32
        %add3A_986 = arith.addi %mul3A_33, %add3A_985 : i32
        %get3A_987 = arith.index_cast %add3A_986 : i32 to index
        %get3A_988 = arith.constant 0 : index
        %get3A_989 = tpu.vector_load %arg8[%get3A_987, %get3A_988] {strides = array<i32>} : memref<400x128xf32, #tpu.memory_space<vmem>>, vector<16xf32>,
        %get3A_990 = arith.index_cast %add3A_986 : i32 to index
        %get3A_991 = arith.constant 0 : index
        %get3A_992 = tpu.vector_load %arg9[%get3A_990, %get3A_991] {strides = array<i32>} : memref<400x128xf32, #tpu.memory_space<vmem>>, vector<16xf32>,
        %mul3A_993 = arith.mulf %get3A_989, %get3A_992 : vector<16xf32>
        %get3A_994 = arith.index_cast %add3A_986 : i32 to index
        %get3A_995 = arith.constant 16 : index
        %get3A_996 = tpu.vector_load %arg8[%get3A_994, %get3A_995] {strides = array<i32>} : memref<400x128xf32, #tpu.memory_space<vmem>>, vector<16xf32>,
        %get3A_997 = arith.index_cast %add3A_986 : i32 to index
        %get3A_998 = arith.constant 16 : index
        %get3A_999 = tpu.vector_load %arg9[%get3A_997, %get3A_998] {strides = array<i32>} : memref<400x128xf32, #tpu.memory_space<vmem>>, vector<16xf32>,
        %mul3A_1000 = arith.mulf %get3A_996, %get3A_999 : vector<16xf32>
        %get3A_1001 = arith.index_cast %add3A_986 : i32 to index
        %get3A_1002 = arith.constant 32 : index
        %get3A_1003 = tpu.vector_load %arg8[%get3A_1001, %get3A_1002] {strides = array<i32>} : memref<400x128xf32, #tpu.memory_space<vmem>>, vector<16xf32>,
        %get3A_1004 = arith.index_cast %add3A_986 : i32 to index
        %get3A_1005 = arith.constant 32 : index
        %get3A_1006 = tpu.vector_load %arg9[%get3A_1004, %get3A_1005] {strides = array<i32>} : memref<400x128xf32, #tpu.memory_space<vmem>>, vector<16xf32>,
        %mul3A_1007 = arith.mulf %get3A_1003, %get3A_1006 : vector<16xf32>
        %get3A_1008 = arith.index_cast %add3A_986 : i32 to index
        %get3A_1009 = arith.constant 48 : index
        %get3A_1010 = tpu.vector_load %arg8[%get3A_1008, %get3A_1009] {strides = array<i32>} : memref<400x128xf32, #tpu.memory_space<vmem>>, vector<16xf32>,
        %get3A_1011 = arith.index_cast %add3A_986 : i32 to index
        %get3A_1012 = arith.constant 48 : index
        %get3A_1013 = tpu.vector_load %arg9[%get3A_1011, %get3A_1012] {strides = array<i32>} : memref<400x128xf32, #tpu.memory_space<vmem>>, vector<16xf32>,
        %mul3A_1014 = arith.mulf %get3A_1010, %get3A_1013 : vector<16xf32>
        %get3A_1015 = arith.index_cast %add3A_986 : i32 to index
        %get3A_1016 = arith.constant 64 : index
        %get3A_1017 = tpu.vector_load %arg8[%get3A_1015, %get3A_1016] {strides = array<i32>} : memref<400x128xf32, #tpu.memory_space<vmem>>, vector<16xf32>,
        %get3A_1018 = arith.index_cast %add3A_986 : i32 to index
        %get3A_1019 = arith.constant 64 : index
        %get3A_1020 = tpu.vector_load %arg9[%get3A_1018, %get3A_1019] {strides = array<i32>} : memref<400x128xf32, #tpu.memory_space<vmem>>, vector<16xf32>,
        %mul3A_1021 = arith.mulf %get3A_1017, %get3A_1020 : vector<16xf32>
        %get3A_1022 = arith.index_cast %add3A_986 : i32 to index
        %get3A_1023 = arith.constant 80 : index
        %get3A_1024 = tpu.vector_load %arg8[%get3A_1022, %get3A_1023] {strides = array<i32>} : memref<400x128xf32, #tpu.memory_space<vmem>>, vector<16xf32>,
        %get3A_1025 = arith.index_cast %add3A_986 : i32 to index
        %get3A_1026 = arith.constant 80 : index
        %get3A_1027 = tpu.vector_load %arg9[%get3A_1025, %get3A_1026] {strides = array<i32>} : memref<400x128xf32, #tpu.memory_space<vmem>>, vector<16xf32>,
        %mul3A_1028 = arith.mulf %get3A_1024, %get3A_1027 : vector<16xf32>
        %get3A_1029 = arith.index_cast %add3A_986 : i32 to index
        %get3A_1030 = arith.constant 96 : index
        %get3A_1031 = tpu.vector_load %arg8[%get3A_1029, %get3A_1030] {strides = array<i32>} : memref<400x128xf32, #tpu.memory_space<vmem>>, vector<16xf32>,
        %get3A_1032 = arith.index_cast %add3A_986 : i32 to index
        %get3A_1033 = arith.constant 96 : index
        %get3A_1034 = tpu.vector_load %arg9[%get3A_1032, %get3A_1033] {strides = array<i32>} : memref<400x128xf32, #tpu.memory_space<vmem>>, vector<16xf32>,
        %mul3A_1035 = arith.mulf %get3A_1031, %get3A_1034 : vector<16xf32>
        %get3A_1036 = arith.index_cast %add3A_986 : i32 to index
        %get3A_1037 = arith.constant 112 : index
        %get3A_1038 = tpu.vector_load %arg8[%get3A_1036, %get3A_1037] {strides = array<i32>} : memref<400x128xf32, #tpu.memory_space<vmem>>, vector<16xf32>,
        %get3A_1039 = arith.index_cast %add3A_986 : i32 to index
        %get3A_1040 = arith.constant 112 : index
        %get3A_1041 = tpu.vector_load %arg9[%get3A_1039, %get3A_1040] {strides = array<i32>} : memref<400x128xf32, #tpu.memory_space<vmem>>, vector<16xf32>,
        %mul3A_1042 = arith.mulf %get3A_1038, %get3A_1041 : vector<16xf32>
        %add3A_1043 = arith.addf %mul3A_993, %mul3A_1000 : vector<16xf32>
        %add3A_1044 = arith.addf %mul3A_1007, %mul3A_1014 : vector<16xf32>
        %add3A_1045 = arith.addf %mul3A_1021, %mul3A_1028 : vector<16xf32>
        %add3A_1046 = arith.addf %mul3A_1035, %mul3A_1042 : vector<16xf32>
        %add3A_1047 = arith.addf %add3A_1043, %add3A_1044 : vector<16xf32>
        %add3A_1048 = arith.addf %add3A_1045, %add3A_1046 : vector<16xf32>
        %add3A_1049 = arith.addf %add3A_1047, %add3A_1048 : vector<16xf32>
        %add3A_1050 = arith.constant 14 : i32
        %add3A_1051 = vector.broadcast %add3A_1050 : i32 to vector<16xi32>
        %add3A_1052 = arith.addi %mul3A_5, %add3A_1051 : vector<16xi32>
        tpu.vector_store_idx %arg11[%add3A_1052], %add3A_1049 : memref<256xf32, #tpu.memory_space<vmem>>[vector<16xi32>], vector<16xf32>,
        %add3A_1053 = arith.constant 15 : i32
        %add3A_1054 = arith.addi %mul3A_33, %add3A_1053 : i32
        %get3A_1055 = arith.index_cast %add3A_1054 : i32 to index
        %get3A_1056 = arith.constant 0 : index
        %get3A_1057 = tpu.vector_load %arg8[%get3A_1055, %get3A_1056] {strides = array<i32>} : memref<400x128xf32, #tpu.memory_space<vmem>>, vector<16xf32>,
        %get3A_1058 = arith.index_cast %add3A_1054 : i32 to index
        %get3A_1059 = arith.constant 0 : index
        %get3A_1060 = tpu.vector_load %arg9[%get3A_1058, %get3A_1059] {strides = array<i32>} : memref<400x128xf32, #tpu.memory_space<vmem>>, vector<16xf32>,
        %mul3A_1061 = arith.mulf %get3A_1057, %get3A_1060 : vector<16xf32>
        %get3A_1062 = arith.index_cast %add3A_1054 : i32 to index
        %get3A_1063 = arith.constant 16 : index
        %get3A_1064 = tpu.vector_load %arg8[%get3A_1062, %get3A_1063] {strides = array<i32>} : memref<400x128xf32, #tpu.memory_space<vmem>>, vector<16xf32>,
        %get3A_1065 = arith.index_cast %add3A_1054 : i32 to index
        %get3A_1066 = arith.constant 16 : index
        %get3A_1067 = tpu.vector_load %arg9[%get3A_1065, %get3A_1066] {strides = array<i32>} : memref<400x128xf32, #tpu.memory_space<vmem>>, vector<16xf32>,
        %mul3A_1068 = arith.mulf %get3A_1064, %get3A_1067 : vector<16xf32>
        %get3A_1069 = arith.index_cast %add3A_1054 : i32 to index
        %get3A_1070 = arith.constant 32 : index
        %get3A_1071 = tpu.vector_load %arg8[%get3A_1069, %get3A_1070] {strides = array<i32>} : memref<400x128xf32, #tpu.memory_space<vmem>>, vector<16xf32>,
        %get3A_1072 = arith.index_cast %add3A_1054 : i32 to index
        %get3A_1073 = arith.constant 32 : index
        %get3A_1074 = tpu.vector_load %arg9[%get3A_1072, %get3A_1073] {strides = array<i32>} : memref<400x128xf32, #tpu.memory_space<vmem>>, vector<16xf32>,
        %mul3A_1075 = arith.mulf %get3A_1071, %get3A_1074 : vector<16xf32>
        %get3A_1076 = arith.index_cast %add3A_1054 : i32 to index
        %get3A_1077 = arith.constant 48 : index
        %get3A_1078 = tpu.vector_load %arg8[%get3A_1076, %get3A_1077] {strides = array<i32>} : memref<400x128xf32, #tpu.memory_space<vmem>>, vector<16xf32>,
        %get3A_1079 = arith.index_cast %add3A_1054 : i32 to index
        %get3A_1080 = arith.constant 48 : index
        %get3A_1081 = tpu.vector_load %arg9[%get3A_1079, %get3A_1080] {strides = array<i32>} : memref<400x128xf32, #tpu.memory_space<vmem>>, vector<16xf32>,
        %mul3A_1082 = arith.mulf %get3A_1078, %get3A_1081 : vector<16xf32>
        %get3A_1083 = arith.index_cast %add3A_1054 : i32 to index
        %get3A_1084 = arith.constant 64 : index
        %get3A_1085 = tpu.vector_load %arg8[%get3A_1083, %get3A_1084] {strides = array<i32>} : memref<400x128xf32, #tpu.memory_space<vmem>>, vector<16xf32>,
        %get3A_1086 = arith.index_cast %add3A_1054 : i32 to index
        %get3A_1087 = arith.constant 64 : index
        %get3A_1088 = tpu.vector_load %arg9[%get3A_1086, %get3A_1087] {strides = array<i32>} : memref<400x128xf32, #tpu.memory_space<vmem>>, vector<16xf32>,
        %mul3A_1089 = arith.mulf %get3A_1085, %get3A_1088 : vector<16xf32>
        %get3A_1090 = arith.index_cast %add3A_1054 : i32 to index
        %get3A_1091 = arith.constant 80 : index
        %get3A_1092 = tpu.vector_load %arg8[%get3A_1090, %get3A_1091] {strides = array<i32>} : memref<400x128xf32, #tpu.memory_space<vmem>>, vector<16xf32>,
        %get3A_1093 = arith.index_cast %add3A_1054 : i32 to index
        %get3A_1094 = arith.constant 80 : index
        %get3A_1095 = tpu.vector_load %arg9[%get3A_1093, %get3A_1094] {strides = array<i32>} : memref<400x128xf32, #tpu.memory_space<vmem>>, vector<16xf32>,
        %mul3A_1096 = arith.mulf %get3A_1092, %get3A_1095 : vector<16xf32>
        %get3A_1097 = arith.index_cast %add3A_1054 : i32 to index
        %get3A_1098 = arith.constant 96 : index
        %get3A_1099 = tpu.vector_load %arg8[%get3A_1097, %get3A_1098] {strides = array<i32>} : memref<400x128xf32, #tpu.memory_space<vmem>>, vector<16xf32>,
        %get3A_1100 = arith.index_cast %add3A_1054 : i32 to index
        %get3A_1101 = arith.constant 96 : index
        %get3A_1102 = tpu.vector_load %arg9[%get3A_1100, %get3A_1101] {strides = array<i32>} : memref<400x128xf32, #tpu.memory_space<vmem>>, vector<16xf32>,
        %mul3A_1103 = arith.mulf %get3A_1099, %get3A_1102 : vector<16xf32>
        %get3A_1104 = arith.index_cast %add3A_1054 : i32 to index
        %get3A_1105 = arith.constant 112 : index
        %get3A_1106 = tpu.vector_load %arg8[%get3A_1104, %get3A_1105] {strides = array<i32>} : memref<400x128xf32, #tpu.memory_space<vmem>>, vector<16xf32>,
        %get3A_1107 = arith.index_cast %add3A_1054 : i32 to index
        %get3A_1108 = arith.constant 112 : index
        %get3A_1109 = tpu.vector_load %arg9[%get3A_1107, %get3A_1108] {strides = array<i32>} : memref<400x128xf32, #tpu.memory_space<vmem>>, vector<16xf32>,
        %mul3A_1110 = arith.mulf %get3A_1106, %get3A_1109 : vector<16xf32>
        %add3A_1111 = arith.addf %mul3A_1061, %mul3A_1068 : vector<16xf32>
        %add3A_1112 = arith.addf %mul3A_1075, %mul3A_1082 : vector<16xf32>
        %add3A_1113 = arith.addf %mul3A_1089, %mul3A_1096 : vector<16xf32>
        %add3A_1114 = arith.addf %mul3A_1103, %mul3A_1110 : vector<16xf32>
        %add3A_1115 = arith.addf %add3A_1111, %add3A_1112 : vector<16xf32>
        %add3A_1116 = arith.addf %add3A_1113, %add3A_1114 : vector<16xf32>
        %add3A_1117 = arith.addf %add3A_1115, %add3A_1116 : vector<16xf32>
        %add3A_1118 = arith.constant 15 : i32
        %add3A_1119 = vector.broadcast %add3A_1118 : i32 to vector<16xi32>
        %add3A_1120 = arith.addi %mul3A_5, %add3A_1119 : vector<16xi32>
        tpu.vector_store_idx %arg11[%add3A_1120], %add3A_1117 : memref<256xf32, #tpu.memory_space<vmem>>[vector<16xi32>], vector<16xf32>,
        %get3A_1121 = arith.constant 0 : index
        %get3A_1122 = tpu.vector_load %arg11[%get3A_1121] {strides = array<i32>} : memref<256xf32, #tpu.memory_space<vmem>>, vector<16xf32>,
        %get3A_1123 = arith.constant 16 : index
        %get3A_1124 = tpu.vector_load %arg11[%get3A_1123] {strides = array<i32>} : memref<256xf32, #tpu.memory_space<vmem>>, vector<16xf32>,
        %add3A_1125 = arith.addf %get3A_1122, %get3A_1124 : vector<16xf32>
        %get3A_1126 = arith.constant 32 : index
        %get3A_1127 = tpu.vector_load %arg11[%get3A_1126] {strides = array<i32>} : memref<256xf32, #tpu.memory_space<vmem>>, vector<16xf32>,
        %add3A_1128 = arith.addf %add3A_1125, %get3A_1127 : vector<16xf32>
        %get3A_1129 = arith.constant 48 : index
        %get3A_1130 = tpu.vector_load %arg11[%get3A_1129] {strides = array<i32>} : memref<256xf32, #tpu.memory_space<vmem>>, vector<16xf32>,
        %add3A_1131 = arith.addf %add3A_1128, %get3A_1130 : vector<16xf32>
        %get3A_1132 = arith.constant 64 : index
        %get3A_1133 = tpu.vector_load %arg11[%get3A_1132] {strides = array<i32>} : memref<256xf32, #tpu.memory_space<vmem>>, vector<16xf32>,
        %add3A_1134 = arith.addf %add3A_1131, %get3A_1133 : vector<16xf32>
        %get3A_1135 = arith.constant 80 : index
        %get3A_1136 = tpu.vector_load %arg11[%get3A_1135] {strides = array<i32>} : memref<256xf32, #tpu.memory_space<vmem>>, vector<16xf32>,
        %add3A_1137 = arith.addf %add3A_1134, %get3A_1136 : vector<16xf32>
        %get3A_1138 = arith.constant 96 : index
        %get3A_1139 = tpu.vector_load %arg11[%get3A_1138] {strides = array<i32>} : memref<256xf32, #tpu.memory_space<vmem>>, vector<16xf32>,
        %add3A_1140 = arith.addf %add3A_1137, %get3A_1139 : vector<16xf32>
        %get3A_1141 = arith.constant 112 : index
        %get3A_1142 = tpu.vector_load %arg11[%get3A_1141] {strides = array<i32>} : memref<256xf32, #tpu.memory_space<vmem>>, vector<16xf32>,
        %add3A_1143 = arith.addf %add3A_1140, %get3A_1142 : vector<16xf32>
        %get3A_1144 = arith.constant 128 : index
        %get3A_1145 = tpu.vector_load %arg11[%get3A_1144] {strides = array<i32>} : memref<256xf32, #tpu.memory_space<vmem>>, vector<16xf32>,
        %add3A_1146 = arith.addf %add3A_1143, %get3A_1145 : vector<16xf32>
        %get3A_1147 = arith.constant 144 : index
        %get3A_1148 = tpu.vector_load %arg11[%get3A_1147] {strides = array<i32>} : memref<256xf32, #tpu.memory_space<vmem>>, vector<16xf32>,
        %add3A_1149 = arith.addf %add3A_1146, %get3A_1148 : vector<16xf32>
        %get3A_1150 = arith.constant 160 : index
        %get3A_1151 = tpu.vector_load %arg11[%get3A_1150] {strides = array<i32>} : memref<256xf32, #tpu.memory_space<vmem>>, vector<16xf32>,
        %add3A_1152 = arith.addf %add3A_1149, %get3A_1151 : vector<16xf32>
        %get3A_1153 = arith.constant 176 : index
        %get3A_1154 = tpu.vector_load %arg11[%get3A_1153] {strides = array<i32>} : memref<256xf32, #tpu.memory_space<vmem>>, vector<16xf32>,
        %add3A_1155 = arith.addf %add3A_1152, %get3A_1154 : vector<16xf32>
        %get3A_1156 = arith.constant 192 : index
        %get3A_1157 = tpu.vector_load %arg11[%get3A_1156] {strides = array<i32>} : memref<256xf32, #tpu.memory_space<vmem>>, vector<16xf32>,
        %add3A_1158 = arith.addf %add3A_1155, %get3A_1157 : vector<16xf32>
        %get3A_1159 = arith.constant 208 : index
        %get3A_1160 = tpu.vector_load %arg11[%get3A_1159] {strides = array<i32>} : memref<256xf32, #tpu.memory_space<vmem>>, vector<16xf32>,
        %add3A_1161 = arith.addf %add3A_1158, %get3A_1160 : vector<16xf32>
        %get3A_1162 = arith.constant 224 : index
        %get3A_1163 = tpu.vector_load %arg11[%get3A_1162] {strides = array<i32>} : memref<256xf32, #tpu.memory_space<vmem>>, vector<16xf32>,
        %add3A_1164 = arith.addf %add3A_1161, %get3A_1163 : vector<16xf32>
        %get3A_1165 = arith.constant 240 : index
        %get3A_1166 = tpu.vector_load %arg11[%get3A_1165] {strides = array<i32>} : memref<256xf32, #tpu.memory_space<vmem>>, vector<16xf32>,
        %add3A_1167 = arith.addf %add3A_1164, %get3A_1166 : vector<16xf32>
        %neg3A = arith.constant 0.000000e+00 : f32
        %neg3A_1168 = vector.broadcast %neg3A : f32 to vector<16xf32>
        %neg3A_1169 = arith.subf %neg3A_1168, %add3A_1167 : vector<16xf32>
        %exp3A = math.exp %neg3A_1169 : vector<16xf32>
        %add3A_1170 = arith.constant 1.000000e+00 : f32
        %add3A_1171 = vector.broadcast %add3A_1170 : f32 to vector<16xf32>
        %add3A_1172 = arith.addf %add3A_1171, %exp3A : vector<16xf32>
        %div3A = arith.constant 1.000000e+00 : f32
        %div3A_1173 = vector.broadcast %div3A : f32 to vector<16xf32>
        %div3A_1174 = arith.divf %div3A_1173, %add3A_1172 : vector<16xf32>
        %swap3A = arith.index_cast %mul3A_33 : i32 to index
        %swap3A_1175 = tpu.vector_load %arg10[%swap3A] {strides = array<i32>} : memref<400xf32, #tpu.memory_space<vmem>>, vector<16xf32>,
        tpu.vector_store %arg10[%swap3A], %div3A_1174 {strides = array<i32>} : memref<400xf32, #tpu.memory_space<vmem>>, vector<16xf32>,
      }
      %scan3A_30 = arith.constant 25 : i32
      "tpu.region"() ({
        %run_scoped3A = tpu.sem_alloc : memref<!tpu.dma_semaphore, #tpu.memory_space<semaphore_mem>>
        %dma_start3A_31 = tpu.memref_slice %arg5[%add3A_14] : memref<1600000xf32, #tpu.memory_space<hbm>> -> memref<400xf32, #tpu.memory_space<hbm>>
        %dma_start3A_32 = tpu.memref_slice %arg5[%add3A_14] : memref<1600000xf32, #tpu.memory_space<hbm>> -> memref<400xf32, #tpu.memory_space<hbm>>
        tpu.enqueue_dma source(%arg10 : memref<400xf32, #tpu.memory_space<vmem>>) target(%dma_start3A_32 : memref<400xf32, #tpu.memory_space<hbm>>) target_semaphore(%run_scoped3A : memref<!tpu.dma_semaphore, #tpu.memory_space<semaphore_mem>>)
        %dma_wait3A_33 = tpu.memref_slice %arg5[%add3A_14] : memref<1600000xf32, #tpu.memory_space<hbm>> -> memref<400xf32, #tpu.memory_space<hbm>>
        %dma_wait3A_34 = tpu.memref_slice %arg5[%add3A_14] : memref<1600000xf32, #tpu.memory_space<hbm>> -> memref<400xf32, #tpu.memory_space<hbm>>
        tpu.wait_dma2 semaphore(%run_scoped3A : memref<!tpu.dma_semaphore, #tpu.memory_space<semaphore_mem>>) src(%arg10 : memref<400xf32, #tpu.memory_space<vmem>>) dst(%dma_wait3A_34 : memref<400xf32, #tpu.memory_space<hbm>>)
        tpu.yield
      }) : () -> ()
    }
    %scan3A_10 = arith.constant 125 : i32
    return
  }
}

</mosaic_0001>

<sc_bundles>
// kernel: kernel.3.cloned.1.call-start
scs
__scs_entry_jumppad:
0x0: {  	(pc) =	sbr.rel $0x88, $3  }
0x1: {  	(tag) =	ssettag $0x0;
	lr =	simm.s32 $0x1  }
0x2: {  	[smem:$0x3F9E] =	sst lr;
	_ =	strace $0xD0000000  }
0x3: {  	_ = 	snop  }
0x4: {  	_ = 	snop  }
0x5: {  	_ = 	snop  }
0x6: {  	_ = 	snop  }
0x7: {  	_ = 	snop  }
__scs_overlays_trampoline_lowered:
0x8: {  	[smem:$0x3FAD] =	sst s0  }
0x9: {  	[smem:$0x3FAE] =	sst s1  }
0xa: {  	[smem:$0x3FAF] =	sst s2  }
0xb: {  	[smem:$0x3FB0] =	sst s3  }
0xc: {  	[smem:$0x3FB1] =	sst s4  }
0xd: {  	[smem:$0x3FB2] =	sst s5  }
0xe: {  	[smem:$0x3FB3] =	sst s6  }
0xf: {  	[smem:$0x3FB4] =	sst s7  }
0x10: {  	[smem:$0x3FB5] =	sst s8  }
0x11: {  	[smem:$0x3FB6] =	sst s9;
	s0 =	simm.s32 @!p0 $0x0  }
0x12: {  	s1 =	sld [smem:$0x3F9C];
	s0 =	simm.s32 @p0 $0x1  }
0x13: {  	[smem:$0x3FB7] =	sst s0;
	s0 =	simm.s32 @!p1 $0x0  }
0x14: {  	s2 =	sld [smem:$0x3F9B];
	s0 =	simm.s32 @p1 $0x1  }
0x15: {  	[smem:$0x3FB8] =	sst s0;
	s0 =	simm.s32 @!p2 $0x0  }
0x16: {  	s3 =	sld [smem:$0x3FDB];
	s0 =	simm.s32 @p2 $0x1  }
0x17: {  	s4 =	simm.s32 $0x1BF5;
	[smem:$0x3FBA] =	sst s0  }
0x18: {  	s0 =	sld [smem:$0x3F9D];
	_ =	swait.ge [sflag:s4], $0x0  }
0x19: {  	s7 =	sld [smem:$0x3F9E]  }
0x1a: {  	s8 =	sadd.s32 $0xFFFFE003, lr  }
0x1b: {  	s9 =	sadd.s32 $0xFFFFFEF7, lr;
	s5 =	simm.s32 $0xFFFFFFFF;
	p2 =	slt.u32 s8, $0xFFFFF086  }
0x1c: {  	p1 =	slt.u32 s9, $0xF7A;
	s5 =	simm.s32 @!p2 $0x0  }
0x1d: {  	s5 =	simm.s32 @p1 $0x1;
	p0 =	seq.s32 s7, s2  }
0x1e: {  	s7 =	smul.u32 @!p0 $0xF7A, s2;
	p2 =	seq.s32 @!p0 s5, $0x0  }
0x1f: {  	s9 =	smul.u32 $0xF7A, s1;
	s8 =	simm.s32 @!p0 $0x1BF5;
	p2 =	por !p2, p0  }
0x20: {  	[sflag:s8] =	ssyncset.s32 @!p0 $0xFFFFF086;
	s6 =	sadd.s32 @!p0 s3, s7;
	s7 =	simm.s32 @!p0 $0x108  }
0x21: {  	s3 =	sadd.s32 s3, s9;
	s6 =	sadd.s32 @!p0 $0x88, s6;
	s7 =	simm.s32 @p2 $0x1082  }
0x22: {  	[simem:s7], [sflag:s8] =	dma.local @!p0 [hbm:s6], $0xF7A  }
0x23: {  	s9 =	sor.u32 $0xD0000000, s2;
	s6 =	simm.s32 $0x108;
	_ =	swait.ge @!p0 [sflag:s8], $0x0  }
0x24: {  	s3 =	sadd.s32 $0x88, s3;
	s6 =	simm.s32 @!p1 $0x1082;
	[sflag:s4] =	ssyncset.s32 $0xFFFFF086  }
0x25: {  	[simem:s6], [sflag:s4] =	dma.local [hbm:s3], $0xF7A  }
0x26: {  	[smem:$0x3F9E] =	sst s1;
	(tag) =	ssettag s2;
	_ =	strace s9  }
0x27: {  	s1 =	sld [smem:$0x3FAE]  }
0x28: {  	s2 =	sld [smem:$0x3FAF]  }
0x29: {  	s4 =	sld [smem:$0x3FB1]  }
0x2a: {  	p0 =	seq.s32 s5, $0x0;
	s5 =	sld [smem:$0x3FB2]  }
0x2b: {  	s6 =	sld [smem:$0x3FB3]  }
0x2c: {  	s7 =	sld [smem:$0x3FB4]  }
0x2d: {  	s3 =	simm.s32 $0x108;
	s8 =	sld [smem:$0x3FB5]  }
0x2e: {  	s3 =	simm.s32 @!p0 $0x1082;
	s9 =	sld [smem:$0x3FB6]  }
0x2f: {  	lr =	sadd.s32 s0, s3;
	s0 =	sld [smem:$0x3FAD]  }
0x30: {  	s3 =	sld [smem:$0x3FB0]  }
0x31: {  	[smem:$0x3FB9] =	sst s10  }
0x32: {  	s10 =	sld [smem:$0x3FB7];
	_ =	sdelay $0x3  }
0x33: {  	p0 =	seq.s32 s10, $0x1;
	s10 =	sld [smem:$0x3FB9];
	_ =	sdelay $0x3  }
0x34: {  	[smem:$0x3FB9] =	sst s10  }
0x35: {  	s10 =	sld [smem:$0x3FB8];
	_ =	sdelay $0x3  }
0x36: {  	p1 =	seq.s32 s10, $0x1;
	s10 =	sld [smem:$0x3FB9];
	_ =	sdelay $0x3  }
0x37: {  	[smem:$0x3FB9] =	sst s10  }
0x38: {  	s10 =	sld [smem:$0x3FBA]  }
0x39: {  	_ = 	snop;
	(pc) =	sbr.ind lr, $3  }
0x3a: {  	_ = 	snop  }
0x3b: {  	_ = 	snop  }
0x3c: {  	p2 =	seq.s32 s10, $0x1;
	s10 =	sld [smem:$0x3FB9]  }
0x3d: {  	_ =	shalt  }
0x3e: {  	_ =	shalt  }
0x3f: {  	_ =	shalt  }
0x40: {  	_ =	shalt  }
0x41: {  	_ =	shalt  }
0x42: {  	_ =	shalt  }
0x43: {  	_ =	shalt  }
0x44: {  	_ =	shalt  }
0x45: {  	_ =	shalt  }
0x46: {  	_ =	shalt  }
0x47: {  	_ =	shalt  }
0x48: {  	_ =	shalt  }
0x49: {  	_ =	shalt  }
0x4a: {  	_ =	shalt  }
0x4b: {  	_ =	shalt  }
0x4c: {  	_ =	shalt  }
0x4d: {  	_ =	shalt  }
0x4e: {  	_ =	shalt  }
0x4f: {  	_ =	shalt  }
0x50: {  	_ =	shalt  }
0x51: {  	_ =	shalt  }
0x52: {  	_ =	shalt  }
0x53: {  	_ =	shalt  }
0x54: {  	_ =	shalt  }
0x55: {  	_ =	shalt  }
0x56: {  	_ =	shalt  }
0x57: {  	_ =	shalt  }
0x58: {  	_ =	shalt  }
0x59: {  	_ =	shalt  }
0x5a: {  	_ =	shalt  }
0x5b: {  	_ =	shalt  }
0x5c: {  	_ =	shalt  }
0x5d: {  	_ =	shalt  }
0x5e: {  	_ =	shalt  }
0x5f: {  	_ =	shalt  }
0x60: {  	_ =	shalt  }
0x61: {  	_ =	shalt  }
0x62: {  	_ =	shalt  }
0x63: {  	_ =	shalt  }
0x64: {  	_ =	shalt  }
0x65: {  	_ =	shalt  }
0x66: {  	_ =	shalt  }
0x67: {  	_ =	shalt  }
0x68: {  	_ =	shalt  }
0x69: {  	_ =	shalt  }
0x6a: {  	_ =	shalt  }
0x6b: {  	_ =	shalt  }
0x6c: {  	_ =	shalt  }
0x6d: {  	_ =	shalt  }
0x6e: {  	_ =	shalt  }
0x6f: {  	_ =	shalt  }
0x70: {  	_ =	shalt  }
0x71: {  	_ =	shalt  }
0x72: {  	_ =	shalt  }
0x73: {  	_ =	shalt  }
0x74: {  	_ =	shalt  }
0x75: {  	_ =	shalt  }
0x76: {  	_ =	shalt  }
0x77: {  	_ =	shalt  }
0x78: {  	_ =	shalt  }
0x79: {  	_ =	shalt  }
0x7a: {  	_ =	shalt  }
0x7b: {  	_ =	shalt  }
0x7c: {  	_ =	shalt  }
0x7d: {  	_ =	shalt  }
0x7e: {  	_ =	shalt  }
0x7f: {  	_ =	shalt  }
0x80: {  	_ =	shalt  }
0x81: {  	_ =	shalt  }
0x82: {  	_ =	shalt  }
0x83: {  	_ =	shalt  }
0x84: {  	_ =	shalt  }
0x85: {  	_ =	shalt  }
0x86: {  	_ =	shalt  }
0x87: {  	_ =	shalt  }
.Lfunc_end0:
.L_simem_size_0:
called_computation_lowered:
.L_overlay_start_0:
0x88: {  	s2 =	sld [smem:$0x3FD9]  }
0x89: {  	s3 =	sld [smem:$0x3FFE];
	_ =	sdelay $0x1  }
0x8a: {  	s1 =	srdreg.scid  }
0x8b: {  	s0 =	sand.u32 $0x1, s1  }
0x8c: {  	s16 =	sshll.u32 s0, $0xA;
	s2 =	sadd.s32 s3, s2  }
0x8d: {  	s2 =	sadd.s32 s2, s16  }
0x8e: {  	[smem:$0x3FC5] =	sst s2  }
0x8f: {  	_ = 	snop  }
0x90: {  	(tm) =	ssettm $0x1  }
0x91: {  	s17 =	sld [smem:$0x3FFB];
	_ =	sdelay $0x3  }
0x92: {  	_ =	strace s17  }
0x93: {  	s2 =	sld [smem:$0x3FFC];
	_ =	sdelay $0x3  }
0x94: {  	_ =	strace s2  }
0x95: {  	s2 =	sld [smem:$0x3FFD];
	_ =	sdelay $0x3  }
0x96: {  	_ =	strace s2  }
0x97: {  	_ =	strace $0x8FFFFFFF  }
0x98: {  	s18 =	sld [smem:$0x3FDB];
	_ =	sdelay $0x1  }
0x99: {  	s19 =	simm.s32 $_scs_section_size  }
0x9a: {  	s4 =	simm.s32 $_size__tile_overlayer_lowered;
	s5 =	simm.s32 $_tile_overlayer_lowered  }
0x9b: {  	s22 =	simm.s32 $0x1BFF;
	s21 =	sshll.u32 s5, $0x1;
	s2 =	sadd.s32 s19, s18  }
0x9c: {  	s6 =	simm.s32 $0x0;
	s20 =	sshll.u32 s4, $0x1;
	s4 =	sadd.s32 s21, s2  }
0x9d: {  	[timem:s6], [sflag:s22] =	dma.local [hbm:s4], s20  }
0x9e: {  	_ =	swait.ge [sflag:s22], s20  }
0x9f: {  	s3 =	ssub.s32 $0x0, s20;
	[sflag:s22] =	ssyncset.done $0x0  }
0xa0: {  	[sflag:s22] =	ssyncadd.s32 s3;
	_ =	sdelay $0x1  }
0xa1: {  	s23 =	simm.s32 $0x1B8B  }
0xa2: {  	_ =	swait.ge [sflag:s23], $0x1  }
0xa3: {  	[sflag:s23] =	ssyncset.done $0x0  }
0xa4: {  	s25 =	simm.s32 $0x1B8E;
	s24 =	sld [smem:$0x3FFE];
	[sflag:s23] =	ssyncadd.s32 $0xFFFFFFFF  }
0xa5: {  	s26 =	simm.s32 $execute0_lowered;
	[smem:$0x3FD2] =	sst s25  }
0xa6: {  	s4 =	sshll.u32 s26, $0x1;
	_ =	strace $0x80000046;
	[dreg:$0x1] =	wrdreg $0xFFFFFFFF  }
0xa7: {  	s28 =	simm.s32 $_size_execute0_lowered;
	s2 =	sadd.s32 s2, s4;
	[dreg:$0x0] =	wrdreg $0x0  }
0xa8: {  	s4 =	sshll.u32 s28, $0x1;
	[dreg:$0x2] =	wrdreg s2  }
0xa9: {  	[dreg:$0x3] =	wrdreg s4  }
0xaa: {  	[dreg:$0x4] =	wrdreg $0xC0  }
0xab: {  	_ =	task [dreg:s6], $0x5FFFF  }
0xac: {  	[dreg:$0x1] =	wrdreg $0xFFFFFFFF  }
0xad: {  	[dreg:$0x0] =	wrdreg $0x60  }
0xae: {  	[dreg:$0x2] =	wrdreg s24  }
0xaf: {  	[dreg:$0x3] =	wrdreg $0x9  }
0xb0: {  	_ =	task.clear_ibuf [dreg:s6], $0x4FFFF;
	_ =	strace $0x90000046  }
0xb1: {  	s29 =	simm.s32 $0x9;
	_ =	strace $0x80000048  }
0xb2: {  	_ =	swait.ge [sflag:s29], $0x1  }
0xb3: {  	[sflag:s29] =	ssyncadd.s32 $0xFFFFFFFF  }
0xb4: {  	_ =	strace $0x90000048  }
0xb5: {  	_ =	sfence  }
0xb6: {  	s30 =	sld [smem:$0x0];
	_ =	sdelay $0x2  }
0xb7: {  	s31 =	sshll.u32 s1, $0xD;
	s1 =	sshrl.u32 s1, $0x2  }
0xb8: {  	s3 =	sand.u32 $0x4000, s31;
	s1 =	sadd.s32 s1, s30  }
0xb9: {  	s0 =	sor.u32 s3, s0;
	s1 =	sshll.u32 s1, $0x11  }
0xba: {  	s0 =	sor.u32 s1, s0  }
0xbb: {  	s0 =	sadd.s32 $0x8F2B, s0  }
0xbc: {  	[sflag:s0] =	ssyncadd.remote.s32 $0x1  }
0xbd: {  	_ =	sfence.sel $0xFFFF  }
0xbe: {  	[dreg:$0x0] =	wrdreg $0xFFFFFFFF;
	(pc) =	sbr.abs _section_cstart, $3  }
0xbf: {  	[dreg:$0x1] =	wrdreg $0xFFFFFFFF  }
0xc0: {  	_ =	task.clear_ibuf [dreg:s6], $0x2FFFF;
	_ =	strace $0x9FFFFFFF  }
0xc1: {  	(tm) =	ssettm $0x7FFFFFFF  }
tec
execute0_lowered:
.L_overlay_start_1:
0x0: {  	(tag) =	ssettag $0x1  }
0x1: {  	s6 =	rddreg [dreg:$0x0]  }
0x2: {  	s0 =	rddreg [dreg:$0x1]  }
0x3: {  	s1 =	simm.s32 $0x0;
	s2 =	srdreg.scid;
	s11 =	simm.s32 $0x190  }
0x4: {  	v0 =	vlaneseq.u32;
	s12 =	simm.s32 $0x400;
	s13 =	simm.s32 $0xCC00;
	s14 =	simm.s32 $0x1  }
0x5: {  	s15 =	simm.s32 $0x2;
	s16 =	simm.s32 $0x19600;
	s17 =	simm.s32 $0x19400;
	v0 =	vmul.u32 $0x10, v0  }
0x6: {  	s18 =	simm.s32 $0x0;
	[smem:$0x7FF] =	sst s1;
	s3 =	sadd.s32 $0x1800, s6  }
0x7: {  	s7 =	sand.u32 $0x1, s2;
	s4 =	sadd.s32 $0x32600, s6;
	s2 =	stileid.u32;
	v1 =	vor.u32 $0x1, v0;
	v2 =	vor.u32 $0x2, v0;
	v3 =	vor.u32 $0x3, v0  }
0x8: {  	s5 =	sadd.s32 $0x80C00, s6;
	s6 =	sadd.s32 $0x144200, s6;
	s8 =	ssub.s32 $0x2, s7;
	v4 =	vor.u32 $0x4, v0;
	v5 =	vor.u32 $0x5, v0;
	v6 =	vor.u32 $0x6, v0  }
0x9: {  	_ =	strace $0x80000047;
	s10 =	sshll.u32 s2, $0x1;
	s9 =	sshrl.u32 s8, $0x1;
	v7 =	vor.u32 $0x7, v0;
	v8 =	vor.u32 $0x8, v0;
	v9 =	vor.u32 $0x9, v0  }
0xa: {  	s7 =	sor.u32 s7, s10;
	s10 =	simm.s32 $0x200;
	v10 =	vor.u32 $0xA, v0;
	v11 =	vor.u32 $0xB, v0;
	v12 =	vor.u32 $0xC, v0;
	s8 =	ssub.s32 s8, s9  }
0xb: {  	v13 =	vor.u32 $0xD, v0;
	v14 =	vor.u32 $0xE, v0;
	v15 =	vor.u32 $0xF, v0;
	s7 =	smul.u32 $0xC350, s7;
	s9 =	simm.s32 $0x3;
	s8 =	smax.u32 s8, $0x1  }
.LBB2_1:
0xc: {  	s19 =	simm.s32 $0x0  }
.LBB2_2:
0xd: {  	s20 =	smul.u32 $0x190, s19;
	_ =	sdelay $0x1  }
0xe: {  	s20 =	sadd.s32 s7, s20  }
0xf: {  	s20 =	sshrl.u32 s20, $0x3  }
0x10: {  	s21 =	simm.s32 $0x0;
	s22 =	sadd.s32 s3, s20  }
0x11: {  	[tilespmem:s21], [sflag:$0x3] =	stream.linear.gather [hbm4b:s22+s21], $0x190, $0x38;
	[tilespmem:$0x19700] =	vst v63  }
0x12: {  	_ =	swait.ge [sflag:s9], $0x190  }
0x13: {  	[sflag:s9] =	ssyncset.done $0x0  }
0x14: {  	s31 =	sadd.s32 s4, s20;
	[sflag:s9] =	ssyncadd.s32 $0xFFFFFE70  }
0x15: {  	[tilespmem:s10], [sflag:$0x3] =	stream.linear.gather [hbm4b:s31+s21], $0x190, $0x38;
	[tilespmem:$0x19700] =	vst v63  }
0x16: {  	_ =	swait.ge [sflag:s9], $0x190  }
0x17: {  	[sflag:s9] =	ssyncset.done $0x0  }
0x18: {  	[sflag:s9] =	ssyncadd.s32 $0xFFFFFE70  }
0x19: {  	[tilespmem:s12], [sflag:$0x1] =	stream.indirect.gather [hbm4b:s5+s11], $0x80, s21, s11, $0xb8;
	[tilespmem:$0x19700] =	vst v63  }
0x1a: {  	_ = 	snop  }
0x1b: {  	[tilespmem:s13], [sflag:$0x2] =	stream.indirect.gather [hbm4b:s5+s11], $0x80, s10, s11, $0xb8;
	[tilespmem:$0x19700] =	vst v63  }
0x1c: {  	_ =	swait.ge [sflag:s14], $0xC800  }
0x1d: {  	[sflag:s14] =	ssyncset.done $0x0  }
0x1e: {  	[sflag:s14] =	ssyncadd.s32 $0xFFFF3800  }
0x1f: {  	_ =	swait.ge [sflag:s15], $0xC800  }
0x20: {  	[sflag:s15] =	ssyncset.done $0x0  }
0x21: {  	[sflag:s15] =	ssyncadd.s32 $0xFFFF3800  }
.LBB2_3:
0x22: {  	s22 =	sshll.u32 s21, $0xB  }
0x23: {  	v16 =	vld [tilespmem:s22+$0x400]  }
0x24: {  	v17 =	vld [tilespmem:s22+$0xCC00]  }
0x25: {  	v18 =	vld [tilespmem:s22+$0x410]  }
0x26: {  	v19 =	vld [tilespmem:s22+$0xCC10]  }
0x27: {  	v20 =	vld [tilespmem:s22+$0x420]  }
0x28: {  	v21 =	vld [tilespmem:s22+$0xCC20]  }
0x29: {  	v22 =	vld [tilespmem:s22+$0x430]  }
0x2a: {  	v23 =	vld [tilespmem:s22+$0xCC30]  }
0x2b: {  	v24 =	vld [tilespmem:s22+$0x440]  }
0x2c: {  	v25 =	vld [tilespmem:s22+$0xCC40]  }
0x2d: {  	v26 =	vld [tilespmem:s22+$0x450]  }
0x2e: {  	v27 =	vld [tilespmem:s22+$0xCC50]  }
0x2f: {  	v28 =	vld [tilespmem:s22+$0x460]  }
0x30: {  	v29 =	vld [tilespmem:s22+$0xCC60]  }
0x31: {  	v30 =	vld [tilespmem:s22+$0x470]  }
0x32: {  	v31 =	vld [tilespmem:s22+$0xCC70];
	_ =	sdelay $0x1  }
0x33: {  	v16 =	vmul.f32 v17, v16;
	v17 =	vmul.f32 v19, v18  }
0x34: {  	v40 =	vmul.f32 v21, v20;
	v41 =	vmul.f32 v23, v22  }
0x35: {  	v42 =	vmul.f32 v25, v24;
	v43 =	vmul.f32 v27, v26  }
0x36: {  	v44 =	vmul.f32 v29, v28;
	v45 =	vmul.f32 v31, v30  }
0x37: {  	v16 =	vadd.f32 v17, v16;
	v17 =	vadd.f32 v41, v40  }
0x38: {  	v46 =	vadd.f32 v43, v42;
	v47 =	vadd.f32 v45, v44;
	_ =	sdelay $0x1  }
0x39: {  	v16 =	vadd.f32 v17, v16;
	v17 =	vadd.f32 v47, v46;
	_ =	sdelay $0x1  }
0x3a: {  	v16 =	vadd.f32 v17, v16;
	_ =	sdelay $0x1  }
0x3b: {  	[tilespmem:v0+s16+$0x0] =	vst.idx.msk $0xffff, v16  }
0x3c: {  	v16 =	vld [tilespmem:s22+$0x480]  }
0x3d: {  	v17 =	vld [tilespmem:s22+$0xCC80]  }
0x3e: {  	v48 =	vld [tilespmem:s22+$0x490]  }
0x3f: {  	v49 =	vld [tilespmem:s22+$0xCC90]  }
0x40: {  	v50 =	vld [tilespmem:s22+$0x4A0]  }
0x41: {  	v51 =	vld [tilespmem:s22+$0xCCA0]  }
0x42: {  	v52 =	vld [tilespmem:s22+$0x4B0]  }
0x43: {  	v53 =	vld [tilespmem:s22+$0xCCB0]  }
0x44: {  	v54 =	vld [tilespmem:s22+$0x4C0]  }
0x45: {  	v55 =	vld [tilespmem:s22+$0xCCC0]  }
0x46: {  	v56 =	vld [tilespmem:s22+$0x4D0]  }
0x47: {  	v57 =	vld [tilespmem:s22+$0xCCD0]  }
0x48: {  	v58 =	vld [tilespmem:s22+$0x4E0]  }
0x49: {  	v59 =	vld [tilespmem:s22+$0xCCE0]  }
0x4a: {  	v60 =	vld [tilespmem:s22+$0x4F0]  }
0x4b: {  	v61 =	vld [tilespmem:s22+$0xCCF0];
	_ =	sdelay $0x1  }
0x4c: {  	v16 =	vmul.f32 v17, v16;
	v17 =	vmul.f32 v49, v48  }
0x4d: {  	v62 =	vmul.f32 v51, v50;
	v63 =	vmul.f32 v53, v52  }
0x4e: {  	v25 =	vmul.f32 v55, v54;
	v27 =	vmul.f32 v57, v56  }
0x4f: {  	v29 =	vmul.f32 v59, v58;
	v32 =	vmul.f32 v61, v60  }
0x50: {  	v16 =	vadd.f32 v17, v16;
	v17 =	vadd.f32 v63, v62  }
0x51: {  	v33 =	vadd.f32 v27, v25;
	v34 =	vadd.f32 v32, v29;
	_ =	sdelay $0x1  }
0x52: {  	v16 =	vadd.f32 v17, v16;
	v17 =	vadd.f32 v34, v33;
	_ =	sdelay $0x1  }
0x53: {  	v16 =	vadd.f32 v17, v16;
	_ =	sdelay $0x1  }
0x54: {  	[tilespmem:v1+s16+$0x0] =	vst.idx.msk $0xffff, v16  }
0x55: {  	v16 =	vld [tilespmem:s22+$0x500]  }
0x56: {  	v17 =	vld [tilespmem:s22+$0xCD00]  }
0x57: {  	v35 =	vld [tilespmem:s22+$0x510]  }
0x58: {  	v36 =	vld [tilespmem:s22+$0xCD10]  }
0x59: {  	v37 =	vld [tilespmem:s22+$0x520]  }
0x5a: {  	v38 =	vld [tilespmem:s22+$0xCD20]  }
0x5b: {  	v39 =	vld [tilespmem:s22+$0x530]  }
0x5c: {  	v40 =	vld [tilespmem:s22+$0xCD30]  }
0x5d: {  	v41 =	vld [tilespmem:s22+$0x540]  }
0x5e: {  	v42 =	vld [tilespmem:s22+$0xCD40]  }
0x5f: {  	v43 =	vld [tilespmem:s22+$0x550]  }
0x60: {  	v44 =	vld [tilespmem:s22+$0xCD50]  }
0x61: {  	v45 =	vld [tilespmem:s22+$0x560]  }
0x62: {  	v46 =	vld [tilespmem:s22+$0xCD60]  }
0x63: {  	v47 =	vld [tilespmem:s22+$0x570]  }
0x64: {  	v48 =	vld [tilespmem:s22+$0xCD70];
	_ =	sdelay $0x1  }
0x65: {  	v16 =	vmul.f32 v17, v16;
	v17 =	vmul.f32 v36, v35  }
0x66: {  	v49 =	vmul.f32 v38, v37;
	v50 =	vmul.f32 v40, v39  }
0x67: {  	v51 =	vmul.f32 v42, v41;
	v52 =	vmul.f32 v44, v43  }
0x68: {  	v53 =	vmul.f32 v46, v45;
	v54 =	vmul.f32 v48, v47  }
0x69: {  	v16 =	vadd.f32 v17, v16;
	v17 =	vadd.f32 v50, v49  }
0x6a: {  	v55 =	vadd.f32 v52, v51;
	v56 =	vadd.f32 v54, v53;
	_ =	sdelay $0x1  }
0x6b: {  	v16 =	vadd.f32 v17, v16;
	v17 =	vadd.f32 v56, v55;
	_ =	sdelay $0x1  }
0x6c: {  	v16 =	vadd.f32 v17, v16;
	_ =	sdelay $0x1  }
0x6d: {  	[tilespmem:v2+s16+$0x0] =	vst.idx.msk $0xffff, v16  }
0x6e: {  	v16 =	vld [tilespmem:s22+$0x580]  }
0x6f: {  	v17 =	vld [tilespmem:s22+$0xCD80]  }
0x70: {  	v57 =	vld [tilespmem:s22+$0x590]  }
0x71: {  	v58 =	vld [tilespmem:s22+$0xCD90]  }
0x72: {  	v59 =	vld [tilespmem:s22+$0x5A0]  }
0x73: {  	v60 =	vld [tilespmem:s22+$0xCDA0]  }
0x74: {  	v61 =	vld [tilespmem:s22+$0x5B0]  }
0x75: {  	v62 =	vld [tilespmem:s22+$0xCDB0]  }
0x76: {  	v63 =	vld [tilespmem:s22+$0x5C0]  }
0x77: {  	v33 =	vld [tilespmem:s22+$0xCDC0]  }
0x78: {  	v34 =	vld [tilespmem:s22+$0x5D0]  }
0x79: {  	v35 =	vld [tilespmem:s22+$0xCDD0]  }
0x7a: {  	v36 =	vld [tilespmem:s22+$0x5E0]  }
0x7b: {  	v37 =	vld [tilespmem:s22+$0xCDE0]  }
0x7c: {  	v38 =	vld [tilespmem:s22+$0x5F0]  }
0x7d: {  	v39 =	vld [tilespmem:s22+$0xCDF0];
	_ =	sdelay $0x1  }
0x7e: {  	v16 =	vmul.f32 v17, v16;
	v17 =	vmul.f32 v58, v57  }
0x7f: {  	v40 =	vmul.f32 v60, v59;
	v41 =	vmul.f32 v62, v61  }
0x80: {  	v42 =	vmul.f32 v33, v63;
	v43 =	vmul.f32 v35, v34  }
0x81: {  	v44 =	vmul.f32 v37, v36;
	v45 =	vmul.f32 v39, v38  }
0x82: {  	v16 =	vadd.f32 v17, v16;
	v17 =	vadd.f32 v41, v40  }
0x83: {  	v46 =	vadd.f32 v43, v42;
	v47 =	vadd.f32 v45, v44;
	_ =	sdelay $0x1  }
0x84: {  	v16 =	vadd.f32 v17, v16;
	v17 =	vadd.f32 v47, v46;
	_ =	sdelay $0x1  }
0x85: {  	v16 =	vadd.f32 v17, v16;
	_ =	sdelay $0x1  }
0x86: {  	[tilespmem:v3+s16+$0x0] =	vst.idx.msk $0xffff, v16  }
0x87: {  	v16 =	vld [tilespmem:s22+$0x600]  }
0x88: {  	v17 =	vld [tilespmem:s22+$0xCE00]  }
0x89: {  	v48 =	vld [tilespmem:s22+$0x610]  }
0x8a: {  	v49 =	vld [tilespmem:s22+$0xCE10]  }
0x8b: {  	v50 =	vld [tilespmem:s22+$0x620]  }
0x8c: {  	v51 =	vld [tilespmem:s22+$0xCE20]  }
0x8d: {  	v52 =	vld [tilespmem:s22+$0x630]  }
0x8e: {  	v53 =	vld [tilespmem:s22+$0xCE30]  }
0x8f: {  	v54 =	vld [tilespmem:s22+$0x640]  }
0x90: {  	v55 =	vld [tilespmem:s22+$0xCE40]  }
0x91: {  	v56 =	vld [tilespmem:s22+$0x650]  }
0x92: {  	v57 =	vld [tilespmem:s22+$0xCE50]  }
0x93: {  	v58 =	vld [tilespmem:s22+$0x660]  }
0x94: {  	v59 =	vld [tilespmem:s22+$0xCE60]  }
0x95: {  	v60 =	vld [tilespmem:s22+$0x670]  }
0x96: {  	v61 =	vld [tilespmem:s22+$0xCE70];
	_ =	sdelay $0x1  }
0x97: {  	v16 =	vmul.f32 v17, v16;
	v17 =	vmul.f32 v49, v48  }
0x98: {  	v62 =	vmul.f32 v51, v50;
	v63 =	vmul.f32 v53, v52  }
0x99: {  	v25 =	vmul.f32 v55, v54;
	v27 =	vmul.f32 v57, v56  }
0x9a: {  	v29 =	vmul.f32 v59, v58;
	v32 =	vmul.f32 v61, v60  }
0x9b: {  	v16 =	vadd.f32 v17, v16;
	v17 =	vadd.f32 v63, v62  }
0x9c: {  	v33 =	vadd.f32 v27, v25;
	v34 =	vadd.f32 v32, v29;
	_ =	sdelay $0x1  }
0x9d: {  	v16 =	vadd.f32 v17, v16;
	v17 =	vadd.f32 v34, v33;
	_ =	sdelay $0x1  }
0x9e: {  	v16 =	vadd.f32 v17, v16;
	_ =	sdelay $0x1  }
0x9f: {  	[tilespmem:v4+s16+$0x0] =	vst.idx.msk $0xffff, v16  }
0xa0: {  	v16 =	vld [tilespmem:s22+$0x680]  }
0xa1: {  	v17 =	vld [tilespmem:s22+$0xCE80]  }
0xa2: {  	v35 =	vld [tilespmem:s22+$0x690]  }
0xa3: {  	v36 =	vld [tilespmem:s22+$0xCE90]  }
0xa4: {  	v37 =	vld [tilespmem:s22+$0x6A0]  }
0xa5: {  	v38 =	vld [tilespmem:s22+$0xCEA0]  }
0xa6: {  	v39 =	vld [tilespmem:s22+$0x6B0]  }
0xa7: {  	v40 =	vld [tilespmem:s22+$0xCEB0]  }
0xa8: {  	v41 =	vld [tilespmem:s22+$0x6C0]  }
0xa9: {  	v42 =	vld [tilespmem:s22+$0xCEC0]  }
0xaa: {  	v43 =	vld [tilespmem:s22+$0x6D0]  }
0xab: {  	v44 =	vld [tilespmem:s22+$0xCED0]  }
0xac: {  	v45 =	vld [tilespmem:s22+$0x6E0]  }
0xad: {  	v46 =	vld [tilespmem:s22+$0xCEE0]  }
0xae: {  	v47 =	vld [tilespmem:s22+$0x6F0]  }
0xaf: {  	v48 =	vld [tilespmem:s22+$0xCEF0];
	_ =	sdelay $0x1  }
0xb0: {  	v16 =	vmul.f32 v17, v16;
	v17 =	vmul.f32 v36, v35  }
0xb1: {  	v49 =	vmul.f32 v38, v37;
	v50 =	vmul.f32 v40, v39  }
0xb2: {  	v51 =	vmul.f32 v42, v41;
	v52 =	vmul.f32 v44, v43  }
0xb3: {  	v53 =	vmul.f32 v46, v45;
	v54 =	vmul.f32 v48, v47  }
0xb4: {  	v16 =	vadd.f32 v17, v16;
	v17 =	vadd.f32 v50, v49  }
0xb5: {  	v55 =	vadd.f32 v52, v51;
	v56 =	vadd.f32 v54, v53;
	_ =	sdelay $0x1  }
0xb6: {  	v16 =	vadd.f32 v17, v16;
	v17 =	vadd.f32 v56, v55;
	_ =	sdelay $0x1  }
0xb7: {  	v16 =	vadd.f32 v17, v16;
	_ =	sdelay $0x1  }
0xb8: {  	[tilespmem:v5+s16+$0x0] =	vst.idx.msk $0xffff, v16  }
0xb9: {  	v16 =	vld [tilespmem:s22+$0x700]  }
0xba: {  	v17 =	vld [tilespmem:s22+$0xCF00]  }
0xbb: {  	v57 =	vld [tilespmem:s22+$0x710]  }
0xbc: {  	v58 =	vld [tilespmem:s22+$0xCF10]  }
0xbd: {  	v59 =	vld [tilespmem:s22+$0x720]  }
0xbe: {  	v60 =	vld [tilespmem:s22+$0xCF20]  }
0xbf: {  	v61 =	vld [tilespmem:s22+$0x730]  }
0xc0: {  	v62 =	vld [tilespmem:s22+$0xCF30]  }
0xc1: {  	v63 =	vld [tilespmem:s22+$0x740]  }
0xc2: {  	v33 =	vld [tilespmem:s22+$0xCF40]  }
0xc3: {  	v34 =	vld [tilespmem:s22+$0x750]  }
0xc4: {  	v35 =	vld [tilespmem:s22+$0xCF50]  }
0xc5: {  	v36 =	vld [tilespmem:s22+$0x760]  }
0xc6: {  	v37 =	vld [tilespmem:s22+$0xCF60]  }
0xc7: {  	v38 =	vld [tilespmem:s22+$0x770]  }
0xc8: {  	v39 =	vld [tilespmem:s22+$0xCF70];
	_ =	sdelay $0x1  }
0xc9: {  	v16 =	vmul.f32 v17, v16;
	v17 =	vmul.f32 v58, v57  }
0xca: {  	v40 =	vmul.f32 v60, v59;
	v41 =	vmul.f32 v62, v61  }
0xcb: {  	v42 =	vmul.f32 v33, v63;
	v43 =	vmul.f32 v35, v34  }
0xcc: {  	v44 =	vmul.f32 v37, v36;
	v45 =	vmul.f32 v39, v38  }
0xcd: {  	v16 =	vadd.f32 v17, v16;
	v17 =	vadd.f32 v41, v40  }
0xce: {  	v46 =	vadd.f32 v43, v42;
	v47 =	vadd.f32 v45, v44;
	_ =	sdelay $0x1  }
0xcf: {  	v16 =	vadd.f32 v17, v16;
	v17 =	vadd.f32 v47, v46;
	_ =	sdelay $0x1  }
0xd0: {  	v16 =	vadd.f32 v17, v16;
	_ =	sdelay $0x1  }
0xd1: {  	[tilespmem:v6+s16+$0x0] =	vst.idx.msk $0xffff, v16  }
0xd2: {  	v16 =	vld [tilespmem:s22+$0x780]  }
0xd3: {  	v17 =	vld [tilespmem:s22+$0xCF80]  }
0xd4: {  	v48 =	vld [tilespmem:s22+$0x790]  }
0xd5: {  	v49 =	vld [tilespmem:s22+$0xCF90]  }
0xd6: {  	v50 =	vld [tilespmem:s22+$0x7A0]  }
0xd7: {  	v51 =	vld [tilespmem:s22+$0xCFA0]  }
0xd8: {  	v52 =	vld [tilespmem:s22+$0x7B0]  }
0xd9: {  	v53 =	vld [tilespmem:s22+$0xCFB0]  }
0xda: {  	v54 =	vld [tilespmem:s22+$0x7C0]  }
0xdb: {  	v55 =	vld [tilespmem:s22+$0xCFC0]  }
0xdc: {  	v56 =	vld [tilespmem:s22+$0x7D0]  }
0xdd: {  	v57 =	vld [tilespmem:s22+$0xCFD0]  }
0xde: {  	v58 =	vld [tilespmem:s22+$0x7E0]  }
0xdf: {  	v59 =	vld [tilespmem:s22+$0xCFE0]  }
0xe0: {  	v60 =	vld [tilespmem:s22+$0x7F0]  }
0xe1: {  	v61 =	vld [tilespmem:s22+$0xCFF0];
	_ =	sdelay $0x1  }
0xe2: {  	v16 =	vmul.f32 v17, v16;
	v17 =	vmul.f32 v49, v48  }
0xe3: {  	v62 =	vmul.f32 v51, v50;
	v63 =	vmul.f32 v53, v52  }
0xe4: {  	v25 =	vmul.f32 v55, v54;
	v27 =	vmul.f32 v57, v56  }
0xe5: {  	v29 =	vmul.f32 v59, v58;
	v32 =	vmul.f32 v61, v60  }
0xe6: {  	v16 =	vadd.f32 v17, v16;
	v17 =	vadd.f32 v63, v62  }
0xe7: {  	v33 =	vadd.f32 v27, v25;
	v34 =	vadd.f32 v32, v29;
	_ =	sdelay $0x1  }
0xe8: {  	v16 =	vadd.f32 v17, v16;
	v17 =	vadd.f32 v34, v33;
	_ =	sdelay $0x1  }
0xe9: {  	v16 =	vadd.f32 v17, v16;
	_ =	sdelay $0x1  }
0xea: {  	[tilespmem:v7+s16+$0x0] =	vst.idx.msk $0xffff, v16  }
0xeb: {  	v16 =	vld [tilespmem:s22+$0x800]  }
0xec: {  	v17 =	vld [tilespmem:s22+$0xD000]  }
0xed: {  	v35 =	vld [tilespmem:s22+$0x810]  }
0xee: {  	v36 =	vld [tilespmem:s22+$0xD010]  }
0xef: {  	v37 =	vld [tilespmem:s22+$0x820]  }
0xf0: {  	v38 =	vld [tilespmem:s22+$0xD020]  }
0xf1: {  	v39 =	vld [tilespmem:s22+$0x830]  }
0xf2: {  	v40 =	vld [tilespmem:s22+$0xD030]  }
0xf3: {  	v41 =	vld [tilespmem:s22+$0x840]  }
0xf4: {  	v42 =	vld [tilespmem:s22+$0xD040]  }
0xf5: {  	v43 =	vld [tilespmem:s22+$0x850]  }
0xf6: {  	v44 =	vld [tilespmem:s22+$0xD050]  }
0xf7: {  	v45 =	vld [tilespmem:s22+$0x860]  }
0xf8: {  	v46 =	vld [tilespmem:s22+$0xD060]  }
0xf9: {  	v47 =	vld [tilespmem:s22+$0x870]  }
0xfa: {  	v48 =	vld [tilespmem:s22+$0xD070];
	_ =	sdelay $0x1  }
0xfb: {  	v16 =	vmul.f32 v17, v16;
	v17 =	vmul.f32 v36, v35  }
0xfc: {  	v49 =	vmul.f32 v38, v37;
	v50 =	vmul.f32 v40, v39  }
0xfd: {  	v51 =	vmul.f32 v42, v41;
	v52 =	vmul.f32 v44, v43  }
0xfe: {  	v53 =	vmul.f32 v46, v45;
	v54 =	vmul.f32 v48, v47  }
0xff: {  	v16 =	vadd.f32 v17, v16;
	v17 =	vadd.f32 v50, v49  }
0x100: {  	v55 =	vadd.f32 v52, v51;
	v56 =	vadd.f32 v54, v53;
	_ =	sdelay $0x1  }
0x101: {  	v16 =	vadd.f32 v17, v16;
	v17 =	vadd.f32 v56, v55;
	_ =	sdelay $0x1  }
0x102: {  	v16 =	vadd.f32 v17, v16;
	_ =	sdelay $0x1  }
0x103: {  	[tilespmem:v8+s16+$0x0] =	vst.idx.msk $0xffff, v16  }
0x104: {  	v16 =	vld [tilespmem:s22+$0x880]  }
0x105: {  	v17 =	vld [tilespmem:s22+$0xD080]  }
0x106: {  	v57 =	vld [tilespmem:s22+$0x890]  }
0x107: {  	v58 =	vld [tilespmem:s22+$0xD090]  }
0x108: {  	v59 =	vld [tilespmem:s22+$0x8A0]  }
0x109: {  	v60 =	vld [tilespmem:s22+$0xD0A0]  }
0x10a: {  	v61 =	vld [tilespmem:s22+$0x8B0]  }
0x10b: {  	v62 =	vld [tilespmem:s22+$0xD0B0]  }
0x10c: {  	v63 =	vld [tilespmem:s22+$0x8C0]  }
0x10d: {  	v33 =	vld [tilespmem:s22+$0xD0C0]  }
0x10e: {  	v34 =	vld [tilespmem:s22+$0x8D0]  }
0x10f: {  	v35 =	vld [tilespmem:s22+$0xD0D0]  }
0x110: {  	v36 =	vld [tilespmem:s22+$0x8E0]  }
0x111: {  	v37 =	vld [tilespmem:s22+$0xD0E0]  }
0x112: {  	v38 =	vld [tilespmem:s22+$0x8F0]  }
0x113: {  	v39 =	vld [tilespmem:s22+$0xD0F0];
	_ =	sdelay $0x1  }
0x114: {  	v16 =	vmul.f32 v17, v16;
	v17 =	vmul.f32 v58, v57  }
0x115: {  	v40 =	vmul.f32 v60, v59;
	v41 =	vmul.f32 v62, v61  }
0x116: {  	v42 =	vmul.f32 v33, v63;
	v43 =	vmul.f32 v35, v34  }
0x117: {  	v44 =	vmul.f32 v37, v36;
	v45 =	vmul.f32 v39, v38  }
0x118: {  	v16 =	vadd.f32 v17, v16;
	v17 =	vadd.f32 v41, v40  }
0x119: {  	v46 =	vadd.f32 v43, v42;
	v47 =	vadd.f32 v45, v44;
	_ =	sdelay $0x1  }
0x11a: {  	v16 =	vadd.f32 v17, v16;
	v17 =	vadd.f32 v47, v46;
	_ =	sdelay $0x1  }
0x11b: {  	v16 =	vadd.f32 v17, v16;
	_ =	sdelay $0x1  }
0x11c: {  	[tilespmem:v9+s16+$0x0] =	vst.idx.msk $0xffff, v16  }
0x11d: {  	v16 =	vld [tilespmem:s22+$0x900]  }
0x11e: {  	v17 =	vld [tilespmem:s22+$0xD100]  }
0x11f: {  	v48 =	vld [tilespmem:s22+$0x910]  }
0x120: {  	v49 =	vld [tilespmem:s22+$0xD110]  }
0x121: {  	v50 =	vld [tilespmem:s22+$0x920]  }
0x122: {  	v51 =	vld [tilespmem:s22+$0xD120]  }
0x123: {  	v52 =	vld [tilespmem:s22+$0x930]  }
0x124: {  	v53 =	vld [tilespmem:s22+$0xD130]  }
0x125: {  	v54 =	vld [tilespmem:s22+$0x940]  }
0x126: {  	v55 =	vld [tilespmem:s22+$0xD140]  }
0x127: {  	v56 =	vld [tilespmem:s22+$0x950]  }
0x128: {  	v57 =	vld [tilespmem:s22+$0xD150]  }
0x129: {  	v58 =	vld [tilespmem:s22+$0x960]  }
0x12a: {  	v59 =	vld [tilespmem:s22+$0xD160]  }
0x12b: {  	v60 =	vld [tilespmem:s22+$0x970]  }
0x12c: {  	v61 =	vld [tilespmem:s22+$0xD170];
	_ =	sdelay $0x1  }
0x12d: {  	v16 =	vmul.f32 v17, v16;
	v17 =	vmul.f32 v49, v48  }
0x12e: {  	v62 =	vmul.f32 v51, v50;
	v63 =	vmul.f32 v53, v52  }
0x12f: {  	v25 =	vmul.f32 v55, v54;
	v32 =	vmul.f32 v57, v56  }
0x130: {  	v33 =	vmul.f32 v59, v58;
	v34 =	vmul.f32 v61, v60  }
0x131: {  	v16 =	vadd.f32 v17, v16;
	v17 =	vadd.f32 v63, v62  }
0x132: {  	v35 =	vadd.f32 v32, v25;
	v36 =	vadd.f32 v34, v33;
	_ =	sdelay $0x1  }
0x133: {  	v16 =	vadd.f32 v17, v16;
	v17 =	vadd.f32 v36, v35;
	_ =	sdelay $0x1  }
0x134: {  	v16 =	vadd.f32 v17, v16;
	_ =	sdelay $0x1  }
0x135: {  	[tilespmem:v10+s16+$0x0] =	vst.idx.msk $0xffff, v16  }
0x136: {  	v16 =	vld [tilespmem:s22+$0x980]  }
0x137: {  	v17 =	vld [tilespmem:s22+$0xD180]  }
0x138: {  	v37 =	vld [tilespmem:s22+$0x990]  }
0x139: {  	v38 =	vld [tilespmem:s22+$0xD190]  }
0x13a: {  	v39 =	vld [tilespmem:s22+$0x9A0]  }
0x13b: {  	v40 =	vld [tilespmem:s22+$0xD1A0]  }
0x13c: {  	v41 =	vld [tilespmem:s22+$0x9B0]  }
0x13d: {  	v42 =	vld [tilespmem:s22+$0xD1B0]  }
0x13e: {  	v43 =	vld [tilespmem:s22+$0x9C0]  }
0x13f: {  	v44 =	vld [tilespmem:s22+$0xD1C0]  }
0x140: {  	v45 =	vld [tilespmem:s22+$0x9D0]  }
0x141: {  	v46 =	vld [tilespmem:s22+$0xD1D0]  }
0x142: {  	v47 =	vld [tilespmem:s22+$0x9E0]  }
0x143: {  	v48 =	vld [tilespmem:s22+$0xD1E0]  }
0x144: {  	v49 =	vld [tilespmem:s22+$0x9F0]  }
0x145: {  	v50 =	vld [tilespmem:s22+$0xD1F0];
	_ =	sdelay $0x1  }
0x146: {  	v16 =	vmul.f32 v17, v16;
	v17 =	vmul.f32 v38, v37  }
0x147: {  	v51 =	vmul.f32 v40, v39;
	v52 =	vmul.f32 v42, v41  }
0x148: {  	v53 =	vmul.f32 v44, v43;
	v54 =	vmul.f32 v46, v45  }
0x149: {  	v55 =	vmul.f32 v48, v47;
	v56 =	vmul.f32 v50, v49  }
0x14a: {  	v16 =	vadd.f32 v17, v16;
	v17 =	vadd.f32 v52, v51  }
0x14b: {  	v57 =	vadd.f32 v54, v53;
	v58 =	vadd.f32 v56, v55;
	_ =	sdelay $0x1  }
0x14c: {  	v16 =	vadd.f32 v17, v16;
	v17 =	vadd.f32 v58, v57;
	_ =	sdelay $0x1  }
0x14d: {  	v16 =	vadd.f32 v17, v16;
	_ =	sdelay $0x1  }
0x14e: {  	[tilespmem:v11+s16+$0x0] =	vst.idx.msk $0xffff, v16  }
0x14f: {  	v16 =	vld [tilespmem:s22+$0xA00]  }
0x150: {  	v17 =	vld [tilespmem:s22+$0xD200]  }
0x151: {  	v59 =	vld [tilespmem:s22+$0xA10]  }
0x152: {  	v60 =	vld [tilespmem:s22+$0xD210]  }
0x153: {  	v61 =	vld [tilespmem:s22+$0xA20]  }
0x154: {  	v62 =	vld [tilespmem:s22+$0xD220]  }
0x155: {  	v63 =	vld [tilespmem:s22+$0xA30]  }
0x156: {  	v33 =	vld [tilespmem:s22+$0xD230]  }
0x157: {  	v34 =	vld [tilespmem:s22+$0xA40]  }
0x158: {  	v35 =	vld [tilespmem:s22+$0xD240]  }
0x159: {  	v36 =	vld [tilespmem:s22+$0xA50]  }
0x15a: {  	v37 =	vld [tilespmem:s22+$0xD250]  }
0x15b: {  	v38 =	vld [tilespmem:s22+$0xA60]  }
0x15c: {  	v39 =	vld [tilespmem:s22+$0xD260]  }
0x15d: {  	v40 =	vld [tilespmem:s22+$0xA70]  }
0x15e: {  	v41 =	vld [tilespmem:s22+$0xD270];
	_ =	sdelay $0x1  }
0x15f: {  	v16 =	vmul.f32 v17, v16;
	v17 =	vmul.f32 v60, v59  }
0x160: {  	v42 =	vmul.f32 v62, v61;
	v43 =	vmul.f32 v33, v63  }
0x161: {  	v44 =	vmul.f32 v35, v34;
	v45 =	vmul.f32 v37, v36  }
0x162: {  	v46 =	vmul.f32 v39, v38;
	v47 =	vmul.f32 v41, v40  }
0x163: {  	v16 =	vadd.f32 v17, v16;
	v17 =	vadd.f32 v43, v42  }
0x164: {  	v48 =	vadd.f32 v45, v44;
	v49 =	vadd.f32 v47, v46;
	_ =	sdelay $0x1  }
0x165: {  	v16 =	vadd.f32 v17, v16;
	v17 =	vadd.f32 v49, v48;
	_ =	sdelay $0x1  }
0x166: {  	v16 =	vadd.f32 v17, v16;
	_ =	sdelay $0x1  }
0x167: {  	[tilespmem:v12+s16+$0x0] =	vst.idx.msk $0xffff, v16  }
0x168: {  	v16 =	vld [tilespmem:s22+$0xA80]  }
0x169: {  	v17 =	vld [tilespmem:s22+$0xD280]  }
0x16a: {  	v50 =	vld [tilespmem:s22+$0xA90]  }
0x16b: {  	v51 =	vld [tilespmem:s22+$0xD290]  }
0x16c: {  	v52 =	vld [tilespmem:s22+$0xAA0]  }
0x16d: {  	v53 =	vld [tilespmem:s22+$0xD2A0]  }
0x16e: {  	v54 =	vld [tilespmem:s22+$0xAB0]  }
0x16f: {  	v55 =	vld [tilespmem:s22+$0xD2B0]  }
0x170: {  	v56 =	vld [tilespmem:s22+$0xAC0]  }
0x171: {  	v57 =	vld [tilespmem:s22+$0xD2C0]  }
0x172: {  	v58 =	vld [tilespmem:s22+$0xAD0]  }
0x173: {  	v59 =	vld [tilespmem:s22+$0xD2D0]  }
0x174: {  	v60 =	vld [tilespmem:s22+$0xAE0]  }
0x175: {  	v61 =	vld [tilespmem:s22+$0xD2E0]  }
0x176: {  	v62 =	vld [tilespmem:s22+$0xAF0]  }
0x177: {  	v63 =	vld [tilespmem:s22+$0xD2F0];
	_ =	sdelay $0x1  }
0x178: {  	v16 =	vmul.f32 v17, v16;
	v17 =	vmul.f32 v51, v50  }
0x179: {  	v33 =	vmul.f32 v53, v52;
	v34 =	vmul.f32 v55, v54  }
0x17a: {  	v35 =	vmul.f32 v57, v56;
	v36 =	vmul.f32 v59, v58  }
0x17b: {  	v37 =	vmul.f32 v61, v60;
	v38 =	vmul.f32 v63, v62  }
0x17c: {  	v16 =	vadd.f32 v17, v16;
	v17 =	vadd.f32 v34, v33  }
0x17d: {  	v39 =	vadd.f32 v36, v35;
	v40 =	vadd.f32 v38, v37;
	_ =	sdelay $0x1  }
0x17e: {  	v16 =	vadd.f32 v17, v16;
	v17 =	vadd.f32 v40, v39;
	_ =	sdelay $0x1  }
0x17f: {  	v16 =	vadd.f32 v17, v16;
	_ =	sdelay $0x1  }
0x180: {  	[tilespmem:v13+s16+$0x0] =	vst.idx.msk $0xffff, v16  }
0x181: {  	v16 =	vld [tilespmem:s22+$0xB00]  }
0x182: {  	v17 =	vld [tilespmem:s22+$0xD300]  }
0x183: {  	v41 =	vld [tilespmem:s22+$0xB10]  }
0x184: {  	v42 =	vld [tilespmem:s22+$0xD310]  }
0x185: {  	v43 =	vld [tilespmem:s22+$0xB20]  }
0x186: {  	v44 =	vld [tilespmem:s22+$0xD320]  }
0x187: {  	v45 =	vld [tilespmem:s22+$0xB30]  }
0x188: {  	v46 =	vld [tilespmem:s22+$0xD330]  }
0x189: {  	v47 =	vld [tilespmem:s22+$0xB40]  }
0x18a: {  	v48 =	vld [tilespmem:s22+$0xD340]  }
0x18b: {  	v49 =	vld [tilespmem:s22+$0xB50]  }
0x18c: {  	v50 =	vld [tilespmem:s22+$0xD350]  }
0x18d: {  	v51 =	vld [tilespmem:s22+$0xB60]  }
0x18e: {  	v52 =	vld [tilespmem:s22+$0xD360]  }
0x18f: {  	v53 =	vld [tilespmem:s22+$0xB70]  }
0x190: {  	v54 =	vld [tilespmem:s22+$0xD370];
	_ =	sdelay $0x1  }
0x191: {  	v16 =	vmul.f32 v17, v16;
	v17 =	vmul.f32 v42, v41  }
0x192: {  	v55 =	vmul.f32 v44, v43;
	v56 =	vmul.f32 v46, v45  }
0x193: {  	v57 =	vmul.f32 v48, v47;
	v58 =	vmul.f32 v50, v49  }
0x194: {  	v59 =	vmul.f32 v52, v51;
	v60 =	vmul.f32 v54, v53  }
0x195: {  	v16 =	vadd.f32 v17, v16;
	v17 =	vadd.f32 v56, v55  }
0x196: {  	v61 =	vadd.f32 v58, v57;
	v62 =	vadd.f32 v60, v59;
	_ =	sdelay $0x1  }
0x197: {  	v16 =	vadd.f32 v17, v16;
	v17 =	vadd.f32 v62, v61;
	_ =	sdelay $0x1  }
0x198: {  	v16 =	vadd.f32 v17, v16;
	_ =	sdelay $0x1  }
0x199: {  	[tilespmem:v14+s16+$0x0] =	vst.idx.msk $0xffff, v16  }
0x19a: {  	v16 =	vld [tilespmem:s22+$0xB80]  }
0x19b: {  	v17 =	vld [tilespmem:s22+$0xD380]  }
0x19c: {  	v63 =	vld [tilespmem:s22+$0xB90]  }
0x19d: {  	v33 =	vld [tilespmem:s22+$0xD390]  }
0x19e: {  	v34 =	vld [tilespmem:s22+$0xBA0]  }
0x19f: {  	v35 =	vld [tilespmem:s22+$0xD3A0]  }
0x1a0: {  	v36 =	vld [tilespmem:s22+$0xBB0]  }
0x1a1: {  	v37 =	vld [tilespmem:s22+$0xD3B0]  }
0x1a2: {  	v38 =	vld [tilespmem:s22+$0xBC0]  }
0x1a3: {  	v39 =	vld [tilespmem:s22+$0xD3C0]  }
0x1a4: {  	v40 =	vld [tilespmem:s22+$0xBD0]  }
0x1a5: {  	v41 =	vld [tilespmem:s22+$0xD3D0]  }
0x1a6: {  	v42 =	vld [tilespmem:s22+$0xBE0]  }
0x1a7: {  	v43 =	vld [tilespmem:s22+$0xD3E0]  }
0x1a8: {  	v44 =	vld [tilespmem:s22+$0xBF0]  }
0x1a9: {  	v45 =	vld [tilespmem:s22+$0xD3F0];
	_ =	sdelay $0x1  }
0x1aa: {  	v16 =	vmul.f32 v17, v16;
	v17 =	vmul.f32 v33, v63  }
0x1ab: {  	v46 =	vmul.f32 v35, v34;
	v47 =	vmul.f32 v37, v36  }
0x1ac: {  	v48 =	vmul.f32 v39, v38;
	v49 =	vmul.f32 v41, v40  }
0x1ad: {  	v50 =	vmul.f32 v43, v42;
	v51 =	vmul.f32 v45, v44  }
0x1ae: {  	v16 =	vadd.f32 v17, v16;
	v17 =	vadd.f32 v47, v46  }
0x1af: {  	v52 =	vadd.f32 v49, v48;
	v53 =	vadd.f32 v51, v50;
	_ =	sdelay $0x1  }
0x1b0: {  	v16 =	vadd.f32 v17, v16;
	v17 =	vadd.f32 v53, v52;
	_ =	sdelay $0x1  }
0x1b1: {  	v16 =	vadd.f32 v17, v16;
	_ =	sdelay $0x1  }
0x1b2: {  	[tilespmem:v15+s16+$0x0] =	vst.idx.msk $0xffff, v16  }
0x1b3: {  	v16 =	vld [tilespmem:$0x19600]  }
0x1b4: {  	v17 =	vld [tilespmem:$0x19610];
	_ =	sdelay $0x1  }
0x1b5: {  	v54 =	vld [tilespmem:$0x19620];
	_ =	sdelay $0x1  }
0x1b6: {  	v55 =	vld [tilespmem:$0x19630]  }
0x1b7: {  	v16 =	vadd.f32 v17, v16  }
0x1b8: {  	v17 =	vld [tilespmem:$0x19640]  }
0x1b9: {  	v16 =	vadd.f32 v54, v16  }
0x1ba: {  	v56 =	vld [tilespmem:$0x19650]  }
0x1bb: {  	v16 =	vadd.f32 v55, v16  }
0x1bc: {  	v57 =	vld [tilespmem:$0x19660]  }
0x1bd: {  	v16 =	vadd.f32 v17, v16  }
0x1be: {  	v17 =	vld [tilespmem:$0x19670]  }
0x1bf: {  	v16 =	vadd.f32 v56, v16  }
0x1c0: {  	v58 =	vld [tilespmem:$0x19680]  }
0x1c1: {  	v16 =	vadd.f32 v57, v16  }
0x1c2: {  	v59 =	vld [tilespmem:$0x19690]  }
0x1c3: {  	v16 =	vadd.f32 v17, v16  }
0x1c4: {  	v17 =	vld [tilespmem:$0x196A0]  }
0x1c5: {  	v16 =	vadd.f32 v58, v16  }
0x1c6: {  	v60 =	vld [tilespmem:$0x196B0]  }
0x1c7: {  	v16 =	vadd.f32 v59, v16  }
0x1c8: {  	v61 =	vld [tilespmem:$0x196C0]  }
0x1c9: {  	v16 =	vadd.f32 v17, v16  }
0x1ca: {  	v17 =	vld [tilespmem:$0x196D0]  }
0x1cb: {  	v16 =	vadd.f32 v60, v16  }
0x1cc: {  	v62 =	vld [tilespmem:$0x196E0]  }
0x1cd: {  	v16 =	vadd.f32 v61, v16  }
0x1ce: {  	v63 =	vld [tilespmem:$0x196F0]  }
0x1cf: {  	v16 =	vadd.f32 v17, v16;
	_ =	sdelay $0x1  }
0x1d0: {  	v16 =	vadd.f32 v62, v16;
	_ =	sdelay $0x1  }
0x1d1: {  	v16 =	vadd.f32 v63, v16;
	_ =	sdelay $0x1  }
0x1d2: {  	v16 =	vsub.f32 $0.0e+00, v16;
	_ =	sdelay $0x1  }
0x1d3: {  	v16 =	vmul.f32 $1.442695020e+00, v16;
	_ =	sdelay $0x1  }
0x1d4: {  	(erf) = vpow2.f32 v16;
	_ =	sdelay $0x8  }
0x1d5: {  	v16 =	vpop (erf)  }
0x1d6: {  	v16 =	vadd.f32 $1.000000000e+00, v16;
	_ =	sdelay $0x1  }
0x1d7: {  	(erf) = vrcp.f32 v16;
	_ =	sdelay $0x4  }
0x1d8: {  	p0 =	sne.s32 s21, $0x18  }
.Ltmp0:
0x1d9: {  	_ = 	snop;
	(pc) =	sbr.rel @p0 .LBB2_3-.Ltmp0, $4  }
0x1da: {  	_ = 	snop  }
0x1db: {  	s31 =	sshll.u32 s21, $0x4  }
0x1dc: {  	s22 =	sand.u32 $0x3FFFFFF0, s31;
	v16 =	vpop (erf)  }
0x1dd: {  	s21 =	sadd.s32 $0x1, s21;
	[tilespmem:s22+$0x19400] =	vst v16  }
0x1de: {  	s19 =	sadd.s32 $0x1, s19  }
0x1df: {  	p0 =	sne.s32 s19, $0x7D  }
.Ltmp1:
0x1e0: {  	s20 =	sadd.s32 s6, s20;
	(pc) =	sbr.rel @p0 .LBB2_2-.Ltmp1, $4  }
0x1e1: {  	[hbm4b:s20+s1] =	stream.linear.scatter [tilespmem:s17], [sflag:$0x3], $0x190, $0x38;
	[tilespmem:$0x19700] =	vst v63  }
0x1e2: {  	_ =	swait.ge [sflag:s9], $0x190  }
0x1e3: {  	[sflag:s9] =	ssyncset.done $0x0  }
0x1e4: {  	[sflag:s9] =	ssyncadd.s32 $0xFFFFFE70  }
0x1e5: {  	s18 =	sadd.s32 $0x1, s18  }
0x1e6: {  	p0 =	sne.s32 s18, s8  }
.Ltmp2:
0x1e7: {  	_ = 	snop;
	(pc) =	sbr.rel @p0 .LBB2_1-.Ltmp2, $1  }
0x1e8: {  	_ =	sdelay $0x3  }
0x1e9: {  	_ =	sfence.sel $0x180000  }
0x1ea: {  	[bflag:$0x0] =	sbarrier.arrive $0xFFFF  }
0x1eb: {  	p0 =	sne.s32 s2, $0x0;
	_ =	strace $0x90000047  }
0x1ec: {  	s0 =	sadd.s32 @!p0 $0x100000, s0;
	[bflag:$0x2] =	sbarrier.arrive $0xFFFF  }
0x1ed: {  	[sflag:s0] =	ssyncadd.tile.s32 @!p0 $0x1;
	_ =	shalt  }
.Lfunc_end2:
_tile_overlayer_lowered:
.L_overlay_start_2:
0x1ee: {  	(tag) =	ssettag $0x2  }
0x1ef: {  	s0 =	rddreg [dreg:$0x0];
	s2 =	stileid.u32  }
0x1f0: {  	s1 =	rddreg [dreg:$0x1];
	p0 =	sne.s32 s2, $0x0  }
0x1f1: {  	s3 =	rddreg [dreg:$0x2];
	[bflag:$0x3] =	sbarrier.arrive $0xFFFF;
	s2 =	simm.s32 @!p0 $0x1C03  }
0x1f2: {  	[timem:s3], [sflag:s2] =	dma.local @!p0 [hbm:s0], s1  }
0x1f3: {  	s0 =	simm.s32 @!p0 $0x3  }
0x1f4: {  	_ =	swait.ge @!p0 [sflag:s0], s1  }
0x1f5: {  	s1 =	ssub.s32 @!p0 $0x0, s1;
	[sflag:s0] =	ssyncset.done @!p0 $0x0  }
0x1f6: {  	[sflag:s0] =	ssyncadd.s32 @!p0 s1  }
0x1f7: {  	[bflag:$0x3] =	sbarrier.arrive $0xFFFF  }
0x1f8: {  	_ =	shalt  }

</sc_bundles>
